<compile_context>
chip_gen: v7x
topology: tpu7x:2x2x1
jax: 0.10.2.dev20260603
libtpu: 0.0.44.dev20260713+nightly
codegen_flags: <defaults>
</compile_context>

<pallas_src>
import functools

import jax
import jax.numpy as jnp
from jax import lax
from jax.experimental import pallas as pl
from jax.experimental.pallas import tpu as pltpu
from jax.experimental.pallas import tpu_sc as plsc

L = 16
NH = 2
NS = 16


@functools.lru_cache(maxsize=None)
def _make_bmu_kernel(B: int, N: int, D: int):
    n_per_w = N // NH
    nchunk = n_per_w // L
    mesh = plsc.VectorSubcoreMesh(
        core_axis_name="c", subcore_axis_name="s", num_cores=1)

    @functools.partial(
        pl.kernel,
        mesh=mesh,
        out_type=jax.ShapeDtypeStruct((B * D,), jnp.float32),
        compiler_params=pltpu.CompilerParams(needs_layout_passes=False),
        scratch_types=[
            pltpu.VMEM((D,), jnp.float32),
            pltpu.VMEM((D * n_per_w,), jnp.float32),
            pltpu.VMEM((L,), jnp.float32),
            pltpu.VMEM((NH * L,), jnp.float32),
            pltpu.VMEM((D,), jnp.float32),
            pltpu.VMEM_SHARED((NS * L,), jnp.float32),
            pltpu.SemaphoreType.DMA,
            pltpu.SemaphoreType.DMA,
            pltpu.SemaphoreType.DMA,
            pltpu.SemaphoreType.DMA,
            pltpu.SemaphoreType.DMA,
        ],
    )
    def bmu(x_hbm, wh_hbm, out_hbm, x_v, w_v, pub_v, mins_v, row_v, board,
            sem_x, sem_w1, sem_w2, sem_w3, sem_w4):
        s = lax.axis_index("s")
        b = s // NH
        h = s % NH

        nst = 4
        chunk = D * n_per_w // nst
        woff = h * D * n_per_w
        cx = pltpu.async_copy(x_hbm.at[pl.ds(b * D, D)], x_v, sem_x)
        sems = [sem_w1, sem_w2, sem_w3, sem_w4]
        copies = [
            pltpu.async_copy(
                wh_hbm.at[pl.ds(woff + k * chunk, chunk)],
                w_v.at[pl.ds(k * chunk, chunk)], sems[k])
            for k in range(nst)
        ]
        cx.wait()

        iota = lax.iota(jnp.int32, L)

        def body(d, accs):
            xd = plsc.load_gather(x_v, [jnp.full((L,), d, jnp.int32)])
            new = []
            for cc in range(nchunk):
                wv = w_v[pl.ds(d * n_per_w + cc * L, L)]
                df = xd - wv
                new.append(accs[cc] + df * df)
            return tuple(new)

        accs = tuple(jnp.zeros((L,), jnp.float32) for _ in range(nchunk))
        dstep = D // nst
        for k in range(nst):
            copies[k].wait()
            accs = lax.fori_loop(k * dstep, (k + 1) * dstep, body, accs)

        best_val = accs[0]
        best_idx = iota
        for cc in range(1, nchunk):
            m = accs[cc] < best_val
            best_val = jnp.where(m, accs[cc], best_val)
            best_idx = jnp.where(m, cc * L + iota, best_idx)
        mval = jnp.min(best_val)
        cand = jnp.where(best_val == mval, best_idx, jnp.int32(2**30))
        j_loc = jnp.min(cand)

        pub_v[...] = jnp.full((L,), mval, jnp.float32)
        pltpu.sync_copy(pub_v, board.at[pl.ds(s * L, L)])
        plsc.subcore_barrier()

        pltpu.sync_copy(board.at[pl.ds((s // NH) * NH * L, NH * L)], mins_v)
        m0 = jnp.min(mins_v[pl.ds(0 * L, L)])
        m1 = jnp.min(mins_v[pl.ds(1 * L, L)])
        gmin = jnp.minimum(m0, m1)
        first_h = jnp.where(m0 == gmin, 0, 1)

        @pl.when(h == first_h)
        def _():
            for k in range(D // L):
                row_v[pl.ds(k * L, L)] = plsc.load_gather(
                    w_v, [(iota + k * L) * n_per_w + j_loc])
            pltpu.sync_copy(row_v, out_hbm.at[pl.ds(b * D, D)])

    return bmu


def kernel(x, weights):
    b, _, f = x.shape
    n = weights.shape[0]
    xq = x[:, -1, :].reshape(b * f)
    wh = weights.T.reshape(f, NH, n // NH).transpose(1, 0, 2).reshape(-1)
    out = _make_bmu_kernel(b, n, f)(xq, wh)
    return out.reshape(b, f)

# --- scband reference (transcript-rebuilt; emitter-appended) ---
"""Pipeline reference for scband-kohonen-map-41042707480737 (READ-ONLY COPY).

The authoritative reference and input builder live on the scoring server;
editing this copy changes nothing except your own understanding.
"""

import jax, jax.numpy as jnp
import numpy as np


def setup_inputs(seed: int = 0) -> dict:
    key = jax.random.key(seed)
    k1, k2 = jax.random.split(key)
    x = jax.random.normal(k1, (8, 576, 64), dtype=jnp.float32)
    # nn.Parameter(torch.rand(num_neurons, input_dim)) -> uniform [0,1)
    weights = jax.random.uniform(k2, (16 * 32, 64), dtype=jnp.float32)
    return {"x": x, "weights": weights}


def reference(x, weights):
    # Faithful translation of KohonenMap.forward with return_sequence=False (default)
    b, s, f = x.shape
    x_flat = x.reshape(b * s, f)
    # _find_bmu
    diff = x_flat[:, None, :] - weights[None, :, :]
    dist_sq = jnp.sum(diff ** 2, axis=2)
    bmu = jnp.argmin(dist_sq, axis=1)
    emb = weights[bmu].reshape(b, s, -1)
    # return_sequence=False and emb.ndim == 3 -> last position only
    return emb[:, -1, :]

if __name__ == "__main__":
    import jax
    _d = setup_inputs()
    print(jax.jit(kernel)(*tuple(_d.values())))

</pallas_src>

<mosaic_0001>
#map = affine_map<(d0, d1) -> (0)>
module attributes {stable_mosaic.version = 14 : i64} {
  func.func @bmu(%arg0: i32, %arg1: i32, %arg2: memref<512xf32, #tpu.memory_space<hbm>>, %arg3: memref<32768xf32, #tpu.memory_space<hbm>>, %arg4: memref<512xf32, #tpu.memory_space<hbm>>, %arg5: memref<64xf32, #tpu.memory_space<vmem>>, %arg6: memref<16384xf32, #tpu.memory_space<vmem>>, %arg7: memref<16xf32, #tpu.memory_space<vmem>>, %arg8: memref<32xf32, #tpu.memory_space<vmem>>, %arg9: memref<64xf32, #tpu.memory_space<vmem>>, %arg10: memref<256xf32, #tpu.memory_space<vmem_shared>>, %arg11: memref<!tpu.dma_semaphore, #tpu.memory_space<semaphore_mem>>, %arg12: memref<!tpu.dma_semaphore, #tpu.memory_space<semaphore_mem>>, %arg13: memref<!tpu.dma_semaphore, #tpu.memory_space<semaphore_mem>>, %arg14: memref<!tpu.dma_semaphore, #tpu.memory_space<semaphore_mem>>, %arg15: memref<!tpu.dma_semaphore, #tpu.memory_space<semaphore_mem>>) attributes {dimension_semantics = [#tpu.dimension_semantics<core_parallel>, #tpu.dimension_semantics<subcore_parallel>], iteration_bounds = array<i64: 1, 16>, scalar_prefetch = 0 : i64, scratch_operands = 11 : i64, tpu.core_type = #tpu.core_type<sc_vector_subcore>, window_params = [{transform_indices = #map}, {transform_indices = #map}, {transform_indices = #map}]} {
    %jit3A = arith.constant 2 : i32
    %div3A = arith.divsi %arg1, %jit3A : i32
    %sign3A = arith.constant 0 : i32
    %sign3A_0 = arith.cmpi sgt, %arg1, %sign3A : i32
    %sign3A_1 = arith.extui %sign3A_0 : i1 to i32
    %sign3A_2 = arith.constant 0 : i32
    %sign3A_3 = arith.cmpi slt, %arg1, %sign3A_2 : i32
    %sign3A_4 = arith.extui %sign3A_3 : i1 to i32
    %sign3A_5 = arith.subi %sign3A_1, %sign3A_4 : i32
    %sign3A_6 = arith.constant 0 : i32
    %sign3A_7 = arith.cmpi sgt, %jit3A, %sign3A_6 : i32
    %sign3A_8 = arith.extui %sign3A_7 : i1 to i32
    %sign3A_9 = arith.constant 0 : i32
    %sign3A_10 = arith.cmpi slt, %jit3A, %sign3A_9 : i32
    %sign3A_11 = arith.extui %sign3A_10 : i1 to i32
    %sign3A_12 = arith.subi %sign3A_8, %sign3A_11 : i32
    %ne3A = arith.cmpi ne, %sign3A_5, %sign3A_12 : i32
    %rem3A = arith.remsi %arg1, %jit3A : i32
    %ne3A_13 = arith.constant 0 : i32
    %ne3A_14 = arith.cmpi ne, %rem3A, %ne3A_13 : i32
    %and3A = arith.andi %ne3A, %ne3A_14 : i1
    %sub3A = arith.constant 1 : i32
    %sub3A_15 = arith.subi %div3A, %sub3A : i32
    %select_n3A = arith.select %and3A, %sub3A_15, %div3A : i32
    %jit3A_16 = arith.constant 2 : i32
    %eq3A = arith.constant 0 : i32
    %eq3A_17 = arith.cmpi eq, %jit3A_16, %eq3A : i32
    %jit3A_18 = arith.constant 1 : i32
    %select_n3A_19 = arith.select %eq3A_17, %jit3A_18, %jit3A_16 : i32
    %rem3A_20 = arith.remsi %arg1, %select_n3A_19 : i32
    %ne3A_21 = arith.constant 0 : i32
    %ne3A_22 = arith.cmpi ne, %rem3A_20, %ne3A_21 : i32
    %lt3A = arith.constant 0 : i32
    %lt3A_23 = arith.cmpi slt, %rem3A_20, %lt3A : i32
    %lt3A_24 = arith.constant 0 : i32
    %lt3A_25 = arith.cmpi slt, %select_n3A_19, %lt3A_24 : i32
    %ne3A_26 = arith.xori %lt3A_23, %lt3A_25 : i1
    %and3A_27 = arith.andi %ne3A_26, %ne3A_22 : i1
    %add3A = arith.addi %rem3A_20, %select_n3A_19 : i32
    %select_n3A_28 = arith.select %and3A_27, %add3A, %rem3A_20 : i32
    %mul3A = arith.constant 64 : i32
    %mul3A_29 = arith.muli %select_n3A_28, %mul3A : i32
    %mul3A_30 = arith.constant 256 : i32
    %mul3A_31 = arith.muli %mul3A_29, %mul3A_30 : i32
    %mul3A_32 = arith.constant 64 : i32
    %mul3A_33 = arith.muli %select_n3A, %mul3A_32 : i32
    %dma_start3A = tpu.memref_slice %arg2[%mul3A_33] : memref<512xf32, #tpu.memory_space<hbm>> -> memref<64xf32, #tpu.memory_space<hbm>>
    %dma_start3A_34 = tpu.memref_slice %arg2[%mul3A_33] : memref<512xf32, #tpu.memory_space<hbm>> -> memref<64xf32, #tpu.memory_space<hbm>>
    tpu.enqueue_dma source(%dma_start3A_34 : memref<64xf32, #tpu.memory_space<hbm>>) target(%arg5 : memref<64xf32, #tpu.memory_space<vmem>>) target_semaphore(%arg11 : memref<!tpu.dma_semaphore, #tpu.memory_space<semaphore_mem>>)
    %add3A_35 = arith.constant 0 : i32
    %add3A_36 = arith.addi %mul3A_31, %add3A_35 : i32
    %dma_start3A_37 = arith.constant 0 : i32
    %dma_start3A_38 = tpu.memref_slice %arg6[%dma_start3A_37] : memref<16384xf32, #tpu.memory_space<vmem>> -> memref<4096xf32, #tpu.memory_space<vmem>>
    %dma_start3A_39 = tpu.memref_slice %arg3[%add3A_36] : memref<32768xf32, #tpu.memory_space<hbm>> -> memref<4096xf32, #tpu.memory_space<hbm>>
    %dma_start3A_40 = arith.constant 0 : i32
    %dma_start3A_41 = tpu.memref_slice %arg6[%dma_start3A_40] : memref<16384xf32, #tpu.memory_space<vmem>> -> memref<4096xf32, #tpu.memory_space<vmem>>
    %dma_start3A_42 = tpu.memref_slice %arg3[%add3A_36] : memref<32768xf32, #tpu.memory_space<hbm>> -> memref<4096xf32, #tpu.memory_space<hbm>>
    tpu.enqueue_dma source(%dma_start3A_42 : memref<4096xf32, #tpu.memory_space<hbm>>) target(%dma_start3A_41 : memref<4096xf32, #tpu.memory_space<vmem>>) target_semaphore(%arg12 : memref<!tpu.dma_semaphore, #tpu.memory_space<semaphore_mem>>)
    %add3A_43 = arith.constant 4096 : i32
    %add3A_44 = arith.addi %mul3A_31, %add3A_43 : i32
    %dma_start3A_45 = arith.constant 4096 : i32
    %dma_start3A_46 = tpu.memref_slice %arg6[%dma_start3A_45] : memref<16384xf32, #tpu.memory_space<vmem>> -> memref<4096xf32, #tpu.memory_space<vmem>>
    %dma_start3A_47 = tpu.memref_slice %arg3[%add3A_44] : memref<32768xf32, #tpu.memory_space<hbm>> -> memref<4096xf32, #tpu.memory_space<hbm>>
    %dma_start3A_48 = arith.constant 4096 : i32
    %dma_start3A_49 = tpu.memref_slice %arg6[%dma_start3A_48] : memref<16384xf32, #tpu.memory_space<vmem>> -> memref<4096xf32, #tpu.memory_space<vmem>>
    %dma_start3A_50 = tpu.memref_slice %arg3[%add3A_44] : memref<32768xf32, #tpu.memory_space<hbm>> -> memref<4096xf32, #tpu.memory_space<hbm>>
    tpu.enqueue_dma source(%dma_start3A_50 : memref<4096xf32, #tpu.memory_space<hbm>>) target(%dma_start3A_49 : memref<4096xf32, #tpu.memory_space<vmem>>) target_semaphore(%arg13 : memref<!tpu.dma_semaphore, #tpu.memory_space<semaphore_mem>>)
    %add3A_51 = arith.constant 8192 : i32
    %add3A_52 = arith.addi %mul3A_31, %add3A_51 : i32
    %dma_start3A_53 = arith.constant 8192 : i32
    %dma_start3A_54 = tpu.memref_slice %arg6[%dma_start3A_53] : memref<16384xf32, #tpu.memory_space<vmem>> -> memref<4096xf32, #tpu.memory_space<vmem>>
    %dma_start3A_55 = tpu.memref_slice %arg3[%add3A_52] : memref<32768xf32, #tpu.memory_space<hbm>> -> memref<4096xf32, #tpu.memory_space<hbm>>
    %dma_start3A_56 = arith.constant 8192 : i32
    %dma_start3A_57 = tpu.memref_slice %arg6[%dma_start3A_56] : memref<16384xf32, #tpu.memory_space<vmem>> -> memref<4096xf32, #tpu.memory_space<vmem>>
    %dma_start3A_58 = tpu.memref_slice %arg3[%add3A_52] : memref<32768xf32, #tpu.memory_space<hbm>> -> memref<4096xf32, #tpu.memory_space<hbm>>
    tpu.enqueue_dma source(%dma_start3A_58 : memref<4096xf32, #tpu.memory_space<hbm>>) target(%dma_start3A_57 : memref<4096xf32, #tpu.memory_space<vmem>>) target_semaphore(%arg14 : memref<!tpu.dma_semaphore, #tpu.memory_space<semaphore_mem>>)
    %add3A_59 = arith.constant 12288 : i32
    %add3A_60 = arith.addi %mul3A_31, %add3A_59 : i32
    %dma_start3A_61 = arith.constant 12288 : i32
    %dma_start3A_62 = tpu.memref_slice %arg6[%dma_start3A_61] : memref<16384xf32, #tpu.memory_space<vmem>> -> memref<4096xf32, #tpu.memory_space<vmem>>
    %dma_start3A_63 = tpu.memref_slice %arg3[%add3A_60] : memref<32768xf32, #tpu.memory_space<hbm>> -> memref<4096xf32, #tpu.memory_space<hbm>>
    %dma_start3A_64 = arith.constant 12288 : i32
    %dma_start3A_65 = tpu.memref_slice %arg6[%dma_start3A_64] : memref<16384xf32, #tpu.memory_space<vmem>> -> memref<4096xf32, #tpu.memory_space<vmem>>
    %dma_start3A_66 = tpu.memref_slice %arg3[%add3A_60] : memref<32768xf32, #tpu.memory_space<hbm>> -> memref<4096xf32, #tpu.memory_space<hbm>>
    tpu.enqueue_dma source(%dma_start3A_66 : memref<4096xf32, #tpu.memory_space<hbm>>) target(%dma_start3A_65 : memref<4096xf32, #tpu.memory_space<vmem>>) target_semaphore(%arg15 : memref<!tpu.dma_semaphore, #tpu.memory_space<semaphore_mem>>)
    %dma_wait3A = tpu.memref_slice %arg2[%mul3A_33] : memref<512xf32, #tpu.memory_space<hbm>> -> memref<64xf32, #tpu.memory_space<hbm>>
    %dma_wait3A_67 = tpu.memref_slice %arg2[%mul3A_33] : memref<512xf32, #tpu.memory_space<hbm>> -> memref<64xf32, #tpu.memory_space<hbm>>
    tpu.wait_dma2 semaphore(%arg11 : memref<!tpu.dma_semaphore, #tpu.memory_space<semaphore_mem>>) src(%dma_wait3A_67 : memref<64xf32, #tpu.memory_space<hbm>>) dst(%arg5 : memref<64xf32, #tpu.memory_space<vmem>>)
    %iota3A = tpu.iota {dimensions = array<i32: 0>} : vector<16xi32>
    %broadcast_in_dim3A = arith.constant 0.000000e+00 : f32
    %broadcast_in_dim3A_68 = vector.broadcast %broadcast_in_dim3A : f32 to vector<16xf32>
    %broadcast_in_dim3A_69 = arith.constant 0.000000e+00 : f32
    %broadcast_in_dim3A_70 = vector.broadcast %broadcast_in_dim3A_69 : f32 to vector<16xf32>
    %broadcast_in_dim3A_71 = arith.constant 0.000000e+00 : f32
    %broadcast_in_dim3A_72 = vector.broadcast %broadcast_in_dim3A_71 : f32 to vector<16xf32>
    %broadcast_in_dim3A_73 = arith.constant 0.000000e+00 : f32
    %broadcast_in_dim3A_74 = vector.broadcast %broadcast_in_dim3A_73 : f32 to vector<16xf32>
    %broadcast_in_dim3A_75 = arith.constant 0.000000e+00 : f32
    %broadcast_in_dim3A_76 = vector.broadcast %broadcast_in_dim3A_75 : f32 to vector<16xf32>
    %broadcast_in_dim3A_77 = arith.constant 0.000000e+00 : f32
    %broadcast_in_dim3A_78 = vector.broadcast %broadcast_in_dim3A_77 : f32 to vector<16xf32>
    %broadcast_in_dim3A_79 = arith.constant 0.000000e+00 : f32
    %broadcast_in_dim3A_80 = vector.broadcast %broadcast_in_dim3A_79 : f32 to vector<16xf32>
    %broadcast_in_dim3A_81 = arith.constant 0.000000e+00 : f32
    %broadcast_in_dim3A_82 = vector.broadcast %broadcast_in_dim3A_81 : f32 to vector<16xf32>
    %broadcast_in_dim3A_83 = arith.constant 0.000000e+00 : f32
    %broadcast_in_dim3A_84 = vector.broadcast %broadcast_in_dim3A_83 : f32 to vector<16xf32>
    %broadcast_in_dim3A_85 = arith.constant 0.000000e+00 : f32
    %broadcast_in_dim3A_86 = vector.broadcast %broadcast_in_dim3A_85 : f32 to vector<16xf32>
    %broadcast_in_dim3A_87 = arith.constant 0.000000e+00 : f32
    %broadcast_in_dim3A_88 = vector.broadcast %broadcast_in_dim3A_87 : f32 to vector<16xf32>
    %broadcast_in_dim3A_89 = arith.constant 0.000000e+00 : f32
    %broadcast_in_dim3A_90 = vector.broadcast %broadcast_in_dim3A_89 : f32 to vector<16xf32>
    %broadcast_in_dim3A_91 = arith.constant 0.000000e+00 : f32
    %broadcast_in_dim3A_92 = vector.broadcast %broadcast_in_dim3A_91 : f32 to vector<16xf32>
    %broadcast_in_dim3A_93 = arith.constant 0.000000e+00 : f32
    %broadcast_in_dim3A_94 = vector.broadcast %broadcast_in_dim3A_93 : f32 to vector<16xf32>
    %broadcast_in_dim3A_95 = arith.constant 0.000000e+00 : f32
    %broadcast_in_dim3A_96 = vector.broadcast %broadcast_in_dim3A_95 : f32 to vector<16xf32>
    %broadcast_in_dim3A_97 = arith.constant 0.000000e+00 : f32
    %broadcast_in_dim3A_98 = vector.broadcast %broadcast_in_dim3A_97 : f32 to vector<16xf32>
    %dma_wait3A_99 = arith.constant 0 : i32
    %dma_wait3A_100 = tpu.memref_slice %arg6[%dma_wait3A_99] : memref<16384xf32, #tpu.memory_space<vmem>> -> memref<4096xf32, #tpu.memory_space<vmem>>
    %dma_wait3A_101 = tpu.memref_slice %arg3[%add3A_36] : memref<32768xf32, #tpu.memory_space<hbm>> -> memref<4096xf32, #tpu.memory_space<hbm>>
    %dma_wait3A_102 = arith.constant 0 : i32
    %dma_wait3A_103 = tpu.memref_slice %arg6[%dma_wait3A_102] : memref<16384xf32, #tpu.memory_space<vmem>> -> memref<4096xf32, #tpu.memory_space<vmem>>
    %dma_wait3A_104 = tpu.memref_slice %arg3[%add3A_36] : memref<32768xf32, #tpu.memory_space<hbm>> -> memref<4096xf32, #tpu.memory_space<hbm>>
    tpu.wait_dma2 semaphore(%arg12 : memref<!tpu.dma_semaphore, #tpu.memory_space<semaphore_mem>>) src(%dma_wait3A_104 : memref<4096xf32, #tpu.memory_space<hbm>>) dst(%dma_wait3A_103 : memref<4096xf32, #tpu.memory_space<vmem>>)
    %scan3A = arith.constant 0 : i32
    %scan3A_105 = arith.constant 16 : i32
    %scan3A_106 = arith.addi %scan3A, %scan3A_105 : i32
    %scan3A_107 = arith.constant 1 : i32
    %scan3A_108:16 = scf.for %scan3A_301 = %scan3A to %scan3A_106 step %scan3A_107 iter_args(%scan3A_302 = %broadcast_in_dim3A_68, %scan3A_303 = %broadcast_in_dim3A_70, %scan3A_304 = %broadcast_in_dim3A_72, %scan3A_305 = %broadcast_in_dim3A_74, %scan3A_306 = %broadcast_in_dim3A_76, %scan3A_307 = %broadcast_in_dim3A_78, %scan3A_308 = %broadcast_in_dim3A_80, %scan3A_309 = %broadcast_in_dim3A_82, %scan3A_310 = %broadcast_in_dim3A_84, %scan3A_311 = %broadcast_in_dim3A_86, %scan3A_312 = %broadcast_in_dim3A_88, %scan3A_313 = %broadcast_in_dim3A_90, %scan3A_314 = %broadcast_in_dim3A_92, %scan3A_315 = %broadcast_in_dim3A_94, %scan3A_316 = %broadcast_in_dim3A_96, %scan3A_317 = %broadcast_in_dim3A_98) -> (vector<16xf32>, vector<16xf32>, vector<16xf32>, vector<16xf32>, vector<16xf32>, vector<16xf32>, vector<16xf32>, vector<16xf32>, vector<16xf32>, vector<16xf32>, vector<16xf32>, vector<16xf32>, vector<16xf32>, vector<16xf32>, vector<16xf32>, vector<16xf32>)  : i32 {
      %broadcast_in_dim3A_318 = vector.broadcast %scan3A_301 : i32 to vector<16xi32>
      %gather3A = tpu.vector_load_idx %arg5[%broadcast_in_dim3A_318] : memref<64xf32, #tpu.memory_space<vmem>>[vector<16xi32>], vector<16xf32>,
      %mul3A_319 = arith.constant 256 : i32
      %mul3A_320 = arith.muli %scan3A_301, %mul3A_319 : i32
      %add3A_321 = arith.constant 0 : i32
      %add3A_322 = arith.addi %mul3A_320, %add3A_321 : i32
      %get3A_323 = arith.index_cast %add3A_322 : i32 to index
      %get3A_324 = tpu.vector_load %arg6[%get3A_323] {strides = array<i32>} : memref<16384xf32, #tpu.memory_space<vmem>>, vector<16xf32>,
      %sub3A_325 = arith.subf %gather3A, %get3A_324 : vector<16xf32>
      %mul3A_326 = arith.mulf %sub3A_325, %sub3A_325 : vector<16xf32>
      %add3A_327 = arith.addf %scan3A_302, %mul3A_326 : vector<16xf32>
      %mul3A_328 = arith.constant 256 : i32
      %mul3A_329 = arith.muli %scan3A_301, %mul3A_328 : i32
      %add3A_330 = arith.constant 16 : i32
      %add3A_331 = arith.addi %mul3A_329, %add3A_330 : i32
      %get3A_332 = arith.index_cast %add3A_331 : i32 to index
      %get3A_333 = tpu.vector_load %arg6[%get3A_332] {strides = array<i32>} : memref<16384xf32, #tpu.memory_space<vmem>>, vector<16xf32>,
      %sub3A_334 = arith.subf %gather3A, %get3A_333 : vector<16xf32>
      %mul3A_335 = arith.mulf %sub3A_334, %sub3A_334 : vector<16xf32>
      %add3A_336 = arith.addf %scan3A_303, %mul3A_335 : vector<16xf32>
      %mul3A_337 = arith.constant 256 : i32
      %mul3A_338 = arith.muli %scan3A_301, %mul3A_337 : i32
      %add3A_339 = arith.constant 32 : i32
      %add3A_340 = arith.addi %mul3A_338, %add3A_339 : i32
      %get3A_341 = arith.index_cast %add3A_340 : i32 to index
      %get3A_342 = tpu.vector_load %arg6[%get3A_341] {strides = array<i32>} : memref<16384xf32, #tpu.memory_space<vmem>>, vector<16xf32>,
      %sub3A_343 = arith.subf %gather3A, %get3A_342 : vector<16xf32>
      %mul3A_344 = arith.mulf %sub3A_343, %sub3A_343 : vector<16xf32>
      %add3A_345 = arith.addf %scan3A_304, %mul3A_344 : vector<16xf32>
      %mul3A_346 = arith.constant 256 : i32
      %mul3A_347 = arith.muli %scan3A_301, %mul3A_346 : i32
      %add3A_348 = arith.constant 48 : i32
      %add3A_349 = arith.addi %mul3A_347, %add3A_348 : i32
      %get3A_350 = arith.index_cast %add3A_349 : i32 to index
      %get3A_351 = tpu.vector_load %arg6[%get3A_350] {strides = array<i32>} : memref<16384xf32, #tpu.memory_space<vmem>>, vector<16xf32>,
      %sub3A_352 = arith.subf %gather3A, %get3A_351 : vector<16xf32>
      %mul3A_353 = arith.mulf %sub3A_352, %sub3A_352 : vector<16xf32>
      %add3A_354 = arith.addf %scan3A_305, %mul3A_353 : vector<16xf32>
      %mul3A_355 = arith.constant 256 : i32
      %mul3A_356 = arith.muli %scan3A_301, %mul3A_355 : i32
      %add3A_357 = arith.constant 64 : i32
      %add3A_358 = arith.addi %mul3A_356, %add3A_357 : i32
      %get3A_359 = arith.index_cast %add3A_358 : i32 to index
      %get3A_360 = tpu.vector_load %arg6[%get3A_359] {strides = array<i32>} : memref<16384xf32, #tpu.memory_space<vmem>>, vector<16xf32>,
      %sub3A_361 = arith.subf %gather3A, %get3A_360 : vector<16xf32>
      %mul3A_362 = arith.mulf %sub3A_361, %sub3A_361 : vector<16xf32>
      %add3A_363 = arith.addf %scan3A_306, %mul3A_362 : vector<16xf32>
      %mul3A_364 = arith.constant 256 : i32
      %mul3A_365 = arith.muli %scan3A_301, %mul3A_364 : i32
      %add3A_366 = arith.constant 80 : i32
      %add3A_367 = arith.addi %mul3A_365, %add3A_366 : i32
      %get3A_368 = arith.index_cast %add3A_367 : i32 to index
      %get3A_369 = tpu.vector_load %arg6[%get3A_368] {strides = array<i32>} : memref<16384xf32, #tpu.memory_space<vmem>>, vector<16xf32>,
      %sub3A_370 = arith.subf %gather3A, %get3A_369 : vector<16xf32>
      %mul3A_371 = arith.mulf %sub3A_370, %sub3A_370 : vector<16xf32>
      %add3A_372 = arith.addf %scan3A_307, %mul3A_371 : vector<16xf32>
      %mul3A_373 = arith.constant 256 : i32
      %mul3A_374 = arith.muli %scan3A_301, %mul3A_373 : i32
      %add3A_375 = arith.constant 96 : i32
      %add3A_376 = arith.addi %mul3A_374, %add3A_375 : i32
      %get3A_377 = arith.index_cast %add3A_376 : i32 to index
      %get3A_378 = tpu.vector_load %arg6[%get3A_377] {strides = array<i32>} : memref<16384xf32, #tpu.memory_space<vmem>>, vector<16xf32>,
      %sub3A_379 = arith.subf %gather3A, %get3A_378 : vector<16xf32>
      %mul3A_380 = arith.mulf %sub3A_379, %sub3A_379 : vector<16xf32>
      %add3A_381 = arith.addf %scan3A_308, %mul3A_380 : vector<16xf32>
      %mul3A_382 = arith.constant 256 : i32
      %mul3A_383 = arith.muli %scan3A_301, %mul3A_382 : i32
      %add3A_384 = arith.constant 112 : i32
      %add3A_385 = arith.addi %mul3A_383, %add3A_384 : i32
      %get3A_386 = arith.index_cast %add3A_385 : i32 to index
      %get3A_387 = tpu.vector_load %arg6[%get3A_386] {strides = array<i32>} : memref<16384xf32, #tpu.memory_space<vmem>>, vector<16xf32>,
      %sub3A_388 = arith.subf %gather3A, %get3A_387 : vector<16xf32>
      %mul3A_389 = arith.mulf %sub3A_388, %sub3A_388 : vector<16xf32>
      %add3A_390 = arith.addf %scan3A_309, %mul3A_389 : vector<16xf32>
      %mul3A_391 = arith.constant 256 : i32
      %mul3A_392 = arith.muli %scan3A_301, %mul3A_391 : i32
      %add3A_393 = arith.constant 128 : i32
      %add3A_394 = arith.addi %mul3A_392, %add3A_393 : i32
      %get3A_395 = arith.index_cast %add3A_394 : i32 to index
      %get3A_396 = tpu.vector_load %arg6[%get3A_395] {strides = array<i32>} : memref<16384xf32, #tpu.memory_space<vmem>>, vector<16xf32>,
      %sub3A_397 = arith.subf %gather3A, %get3A_396 : vector<16xf32>
      %mul3A_398 = arith.mulf %sub3A_397, %sub3A_397 : vector<16xf32>
      %add3A_399 = arith.addf %scan3A_310, %mul3A_398 : vector<16xf32>
      %mul3A_400 = arith.constant 256 : i32
      %mul3A_401 = arith.muli %scan3A_301, %mul3A_400 : i32
      %add3A_402 = arith.constant 144 : i32
      %add3A_403 = arith.addi %mul3A_401, %add3A_402 : i32
      %get3A_404 = arith.index_cast %add3A_403 : i32 to index
      %get3A_405 = tpu.vector_load %arg6[%get3A_404] {strides = array<i32>} : memref<16384xf32, #tpu.memory_space<vmem>>, vector<16xf32>,
      %sub3A_406 = arith.subf %gather3A, %get3A_405 : vector<16xf32>
      %mul3A_407 = arith.mulf %sub3A_406, %sub3A_406 : vector<16xf32>
      %add3A_408 = arith.addf %scan3A_311, %mul3A_407 : vector<16xf32>
      %mul3A_409 = arith.constant 256 : i32
      %mul3A_410 = arith.muli %scan3A_301, %mul3A_409 : i32
      %add3A_411 = arith.constant 160 : i32
      %add3A_412 = arith.addi %mul3A_410, %add3A_411 : i32
      %get3A_413 = arith.index_cast %add3A_412 : i32 to index
      %get3A_414 = tpu.vector_load %arg6[%get3A_413] {strides = array<i32>} : memref<16384xf32, #tpu.memory_space<vmem>>, vector<16xf32>,
      %sub3A_415 = arith.subf %gather3A, %get3A_414 : vector<16xf32>
      %mul3A_416 = arith.mulf %sub3A_415, %sub3A_415 : vector<16xf32>
      %add3A_417 = arith.addf %scan3A_312, %mul3A_416 : vector<16xf32>
      %mul3A_418 = arith.constant 256 : i32
      %mul3A_419 = arith.muli %scan3A_301, %mul3A_418 : i32
      %add3A_420 = arith.constant 176 : i32
      %add3A_421 = arith.addi %mul3A_419, %add3A_420 : i32
      %get3A_422 = arith.index_cast %add3A_421 : i32 to index
      %get3A_423 = tpu.vector_load %arg6[%get3A_422] {strides = array<i32>} : memref<16384xf32, #tpu.memory_space<vmem>>, vector<16xf32>,
      %sub3A_424 = arith.subf %gather3A, %get3A_423 : vector<16xf32>
      %mul3A_425 = arith.mulf %sub3A_424, %sub3A_424 : vector<16xf32>
      %add3A_426 = arith.addf %scan3A_313, %mul3A_425 : vector<16xf32>
      %mul3A_427 = arith.constant 256 : i32
      %mul3A_428 = arith.muli %scan3A_301, %mul3A_427 : i32
      %add3A_429 = arith.constant 192 : i32
      %add3A_430 = arith.addi %mul3A_428, %add3A_429 : i32
      %get3A_431 = arith.index_cast %add3A_430 : i32 to index
      %get3A_432 = tpu.vector_load %arg6[%get3A_431] {strides = array<i32>} : memref<16384xf32, #tpu.memory_space<vmem>>, vector<16xf32>,
      %sub3A_433 = arith.subf %gather3A, %get3A_432 : vector<16xf32>
      %mul3A_434 = arith.mulf %sub3A_433, %sub3A_433 : vector<16xf32>
      %add3A_435 = arith.addf %scan3A_314, %mul3A_434 : vector<16xf32>
      %mul3A_436 = arith.constant 256 : i32
      %mul3A_437 = arith.muli %scan3A_301, %mul3A_436 : i32
      %add3A_438 = arith.constant 208 : i32
      %add3A_439 = arith.addi %mul3A_437, %add3A_438 : i32
      %get3A_440 = arith.index_cast %add3A_439 : i32 to index
      %get3A_441 = tpu.vector_load %arg6[%get3A_440] {strides = array<i32>} : memref<16384xf32, #tpu.memory_space<vmem>>, vector<16xf32>,
      %sub3A_442 = arith.subf %gather3A, %get3A_441 : vector<16xf32>
      %mul3A_443 = arith.mulf %sub3A_442, %sub3A_442 : vector<16xf32>
      %add3A_444 = arith.addf %scan3A_315, %mul3A_443 : vector<16xf32>
      %mul3A_445 = arith.constant 256 : i32
      %mul3A_446 = arith.muli %scan3A_301, %mul3A_445 : i32
      %add3A_447 = arith.constant 224 : i32
      %add3A_448 = arith.addi %mul3A_446, %add3A_447 : i32
      %get3A_449 = arith.index_cast %add3A_448 : i32 to index
      %get3A_450 = tpu.vector_load %arg6[%get3A_449] {strides = array<i32>} : memref<16384xf32, #tpu.memory_space<vmem>>, vector<16xf32>,
      %sub3A_451 = arith.subf %gather3A, %get3A_450 : vector<16xf32>
      %mul3A_452 = arith.mulf %sub3A_451, %sub3A_451 : vector<16xf32>
      %add3A_453 = arith.addf %scan3A_316, %mul3A_452 : vector<16xf32>
      %mul3A_454 = arith.constant 256 : i32
      %mul3A_455 = arith.muli %scan3A_301, %mul3A_454 : i32
      %add3A_456 = arith.constant 240 : i32
      %add3A_457 = arith.addi %mul3A_455, %add3A_456 : i32
      %get3A_458 = arith.index_cast %add3A_457 : i32 to index
      %get3A_459 = tpu.vector_load %arg6[%get3A_458] {strides = array<i32>} : memref<16384xf32, #tpu.memory_space<vmem>>, vector<16xf32>,
      %sub3A_460 = arith.subf %gather3A, %get3A_459 : vector<16xf32>
      %mul3A_461 = arith.mulf %sub3A_460, %sub3A_460 : vector<16xf32>
      %add3A_462 = arith.addf %scan3A_317, %mul3A_461 : vector<16xf32>
      scf.yield %add3A_327, %add3A_336, %add3A_345, %add3A_354, %add3A_363, %add3A_372, %add3A_381, %add3A_390, %add3A_399, %add3A_408, %add3A_417, %add3A_426, %add3A_435, %add3A_444, %add3A_453, %add3A_462 : vector<16xf32>, vector<16xf32>, vector<16xf32>, vector<16xf32>, vector<16xf32>, vector<16xf32>, vector<16xf32>, vector<16xf32>, vector<16xf32>, vector<16xf32>, vector<16xf32>, vector<16xf32>, vector<16xf32>, vector<16xf32>, vector<16xf32>, vector<16xf32>
    }
    %scan3A_109 = arith.constant 16 : i32
    %dma_wait3A_110 = arith.constant 4096 : i32
    %dma_wait3A_111 = tpu.memref_slice %arg6[%dma_wait3A_110] : memref<16384xf32, #tpu.memory_space<vmem>> -> memref<4096xf32, #tpu.memory_space<vmem>>
    %dma_wait3A_112 = tpu.memref_slice %arg3[%add3A_44] : memref<32768xf32, #tpu.memory_space<hbm>> -> memref<4096xf32, #tpu.memory_space<hbm>>
    %dma_wait3A_113 = arith.constant 4096 : i32
    %dma_wait3A_114 = tpu.memref_slice %arg6[%dma_wait3A_113] : memref<16384xf32, #tpu.memory_space<vmem>> -> memref<4096xf32, #tpu.memory_space<vmem>>
    %dma_wait3A_115 = tpu.memref_slice %arg3[%add3A_44] : memref<32768xf32, #tpu.memory_space<hbm>> -> memref<4096xf32, #tpu.memory_space<hbm>>
    tpu.wait_dma2 semaphore(%arg13 : memref<!tpu.dma_semaphore, #tpu.memory_space<semaphore_mem>>) src(%dma_wait3A_115 : memref<4096xf32, #tpu.memory_space<hbm>>) dst(%dma_wait3A_114 : memref<4096xf32, #tpu.memory_space<vmem>>)
    %scan3A_116 = arith.constant 16 : i32
    %scan3A_117 = arith.constant 16 : i32
    %scan3A_118 = arith.addi %scan3A_116, %scan3A_117 : i32
    %scan3A_119 = arith.constant 1 : i32
    %scan3A_120:16 = scf.for %scan3A_301 = %scan3A_116 to %scan3A_118 step %scan3A_119 iter_args(%scan3A_302 = %scan3A_108#0, %scan3A_303 = %scan3A_108#1, %scan3A_304 = %scan3A_108#2, %scan3A_305 = %scan3A_108#3, %scan3A_306 = %scan3A_108#4, %scan3A_307 = %scan3A_108#5, %scan3A_308 = %scan3A_108#6, %scan3A_309 = %scan3A_108#7, %scan3A_310 = %scan3A_108#8, %scan3A_311 = %scan3A_108#9, %scan3A_312 = %scan3A_108#10, %scan3A_313 = %scan3A_108#11, %scan3A_314 = %scan3A_108#12, %scan3A_315 = %scan3A_108#13, %scan3A_316 = %scan3A_108#14, %scan3A_317 = %scan3A_108#15) -> (vector<16xf32>, vector<16xf32>, vector<16xf32>, vector<16xf32>, vector<16xf32>, vector<16xf32>, vector<16xf32>, vector<16xf32>, vector<16xf32>, vector<16xf32>, vector<16xf32>, vector<16xf32>, vector<16xf32>, vector<16xf32>, vector<16xf32>, vector<16xf32>)  : i32 {
      %broadcast_in_dim3A_318 = vector.broadcast %scan3A_301 : i32 to vector<16xi32>
      %gather3A = tpu.vector_load_idx %arg5[%broadcast_in_dim3A_318] : memref<64xf32, #tpu.memory_space<vmem>>[vector<16xi32>], vector<16xf32>,
      %mul3A_319 = arith.constant 256 : i32
      %mul3A_320 = arith.muli %scan3A_301, %mul3A_319 : i32
      %add3A_321 = arith.constant 0 : i32
      %add3A_322 = arith.addi %mul3A_320, %add3A_321 : i32
      %get3A_323 = arith.index_cast %add3A_322 : i32 to index
      %get3A_324 = tpu.vector_load %arg6[%get3A_323] {strides = array<i32>} : memref<16384xf32, #tpu.memory_space<vmem>>, vector<16xf32>,
      %sub3A_325 = arith.subf %gather3A, %get3A_324 : vector<16xf32>
      %mul3A_326 = arith.mulf %sub3A_325, %sub3A_325 : vector<16xf32>
      %add3A_327 = arith.addf %scan3A_302, %mul3A_326 : vector<16xf32>
      %mul3A_328 = arith.constant 256 : i32
      %mul3A_329 = arith.muli %scan3A_301, %mul3A_328 : i32
      %add3A_330 = arith.constant 16 : i32
      %add3A_331 = arith.addi %mul3A_329, %add3A_330 : i32
      %get3A_332 = arith.index_cast %add3A_331 : i32 to index
      %get3A_333 = tpu.vector_load %arg6[%get3A_332] {strides = array<i32>} : memref<16384xf32, #tpu.memory_space<vmem>>, vector<16xf32>,
      %sub3A_334 = arith.subf %gather3A, %get3A_333 : vector<16xf32>
      %mul3A_335 = arith.mulf %sub3A_334, %sub3A_334 : vector<16xf32>
      %add3A_336 = arith.addf %scan3A_303, %mul3A_335 : vector<16xf32>
      %mul3A_337 = arith.constant 256 : i32
      %mul3A_338 = arith.muli %scan3A_301, %mul3A_337 : i32
      %add3A_339 = arith.constant 32 : i32
      %add3A_340 = arith.addi %mul3A_338, %add3A_339 : i32
      %get3A_341 = arith.index_cast %add3A_340 : i32 to index
      %get3A_342 = tpu.vector_load %arg6[%get3A_341] {strides = array<i32>} : memref<16384xf32, #tpu.memory_space<vmem>>, vector<16xf32>,
      %sub3A_343 = arith.subf %gather3A, %get3A_342 : vector<16xf32>
      %mul3A_344 = arith.mulf %sub3A_343, %sub3A_343 : vector<16xf32>
      %add3A_345 = arith.addf %scan3A_304, %mul3A_344 : vector<16xf32>
      %mul3A_346 = arith.constant 256 : i32
      %mul3A_347 = arith.muli %scan3A_301, %mul3A_346 : i32
      %add3A_348 = arith.constant 48 : i32
      %add3A_349 = arith.addi %mul3A_347, %add3A_348 : i32
      %get3A_350 = arith.index_cast %add3A_349 : i32 to index
      %get3A_351 = tpu.vector_load %arg6[%get3A_350] {strides = array<i32>} : memref<16384xf32, #tpu.memory_space<vmem>>, vector<16xf32>,
      %sub3A_352 = arith.subf %gather3A, %get3A_351 : vector<16xf32>
      %mul3A_353 = arith.mulf %sub3A_352, %sub3A_352 : vector<16xf32>
      %add3A_354 = arith.addf %scan3A_305, %mul3A_353 : vector<16xf32>
      %mul3A_355 = arith.constant 256 : i32
      %mul3A_356 = arith.muli %scan3A_301, %mul3A_355 : i32
      %add3A_357 = arith.constant 64 : i32
      %add3A_358 = arith.addi %mul3A_356, %add3A_357 : i32
      %get3A_359 = arith.index_cast %add3A_358 : i32 to index
      %get3A_360 = tpu.vector_load %arg6[%get3A_359] {strides = array<i32>} : memref<16384xf32, #tpu.memory_space<vmem>>, vector<16xf32>,
      %sub3A_361 = arith.subf %gather3A, %get3A_360 : vector<16xf32>
      %mul3A_362 = arith.mulf %sub3A_361, %sub3A_361 : vector<16xf32>
      %add3A_363 = arith.addf %scan3A_306, %mul3A_362 : vector<16xf32>
      %mul3A_364 = arith.constant 256 : i32
      %mul3A_365 = arith.muli %scan3A_301, %mul3A_364 : i32
      %add3A_366 = arith.constant 80 : i32
      %add3A_367 = arith.addi %mul3A_365, %add3A_366 : i32
      %get3A_368 = arith.index_cast %add3A_367 : i32 to index
      %get3A_369 = tpu.vector_load %arg6[%get3A_368] {strides = array<i32>} : memref<16384xf32, #tpu.memory_space<vmem>>, vector<16xf32>,
      %sub3A_370 = arith.subf %gather3A, %get3A_369 : vector<16xf32>
      %mul3A_371 = arith.mulf %sub3A_370, %sub3A_370 : vector<16xf32>
      %add3A_372 = arith.addf %scan3A_307, %mul3A_371 : vector<16xf32>
      %mul3A_373 = arith.constant 256 : i32
      %mul3A_374 = arith.muli %scan3A_301, %mul3A_373 : i32
      %add3A_375 = arith.constant 96 : i32
      %add3A_376 = arith.addi %mul3A_374, %add3A_375 : i32
      %get3A_377 = arith.index_cast %add3A_376 : i32 to index
      %get3A_378 = tpu.vector_load %arg6[%get3A_377] {strides = array<i32>} : memref<16384xf32, #tpu.memory_space<vmem>>, vector<16xf32>,
      %sub3A_379 = arith.subf %gather3A, %get3A_378 : vector<16xf32>
      %mul3A_380 = arith.mulf %sub3A_379, %sub3A_379 : vector<16xf32>
      %add3A_381 = arith.addf %scan3A_308, %mul3A_380 : vector<16xf32>
      %mul3A_382 = arith.constant 256 : i32
      %mul3A_383 = arith.muli %scan3A_301, %mul3A_382 : i32
      %add3A_384 = arith.constant 112 : i32
      %add3A_385 = arith.addi %mul3A_383, %add3A_384 : i32
      %get3A_386 = arith.index_cast %add3A_385 : i32 to index
      %get3A_387 = tpu.vector_load %arg6[%get3A_386] {strides = array<i32>} : memref<16384xf32, #tpu.memory_space<vmem>>, vector<16xf32>,
      %sub3A_388 = arith.subf %gather3A, %get3A_387 : vector<16xf32>
      %mul3A_389 = arith.mulf %sub3A_388, %sub3A_388 : vector<16xf32>
      %add3A_390 = arith.addf %scan3A_309, %mul3A_389 : vector<16xf32>
      %mul3A_391 = arith.constant 256 : i32
      %mul3A_392 = arith.muli %scan3A_301, %mul3A_391 : i32
      %add3A_393 = arith.constant 128 : i32
      %add3A_394 = arith.addi %mul3A_392, %add3A_393 : i32
      %get3A_395 = arith.index_cast %add3A_394 : i32 to index
      %get3A_396 = tpu.vector_load %arg6[%get3A_395] {strides = array<i32>} : memref<16384xf32, #tpu.memory_space<vmem>>, vector<16xf32>,
      %sub3A_397 = arith.subf %gather3A, %get3A_396 : vector<16xf32>
      %mul3A_398 = arith.mulf %sub3A_397, %sub3A_397 : vector<16xf32>
      %add3A_399 = arith.addf %scan3A_310, %mul3A_398 : vector<16xf32>
      %mul3A_400 = arith.constant 256 : i32
      %mul3A_401 = arith.muli %scan3A_301, %mul3A_400 : i32
      %add3A_402 = arith.constant 144 : i32
      %add3A_403 = arith.addi %mul3A_401, %add3A_402 : i32
      %get3A_404 = arith.index_cast %add3A_403 : i32 to index
      %get3A_405 = tpu.vector_load %arg6[%get3A_404] {strides = array<i32>} : memref<16384xf32, #tpu.memory_space<vmem>>, vector<16xf32>,
      %sub3A_406 = arith.subf %gather3A, %get3A_405 : vector<16xf32>
      %mul3A_407 = arith.mulf %sub3A_406, %sub3A_406 : vector<16xf32>
      %add3A_408 = arith.addf %scan3A_311, %mul3A_407 : vector<16xf32>
      %mul3A_409 = arith.constant 256 : i32
      %mul3A_410 = arith.muli %scan3A_301, %mul3A_409 : i32
      %add3A_411 = arith.constant 160 : i32
      %add3A_412 = arith.addi %mul3A_410, %add3A_411 : i32
      %get3A_413 = arith.index_cast %add3A_412 : i32 to index
      %get3A_414 = tpu.vector_load %arg6[%get3A_413] {strides = array<i32>} : memref<16384xf32, #tpu.memory_space<vmem>>, vector<16xf32>,
      %sub3A_415 = arith.subf %gather3A, %get3A_414 : vector<16xf32>
      %mul3A_416 = arith.mulf %sub3A_415, %sub3A_415 : vector<16xf32>
      %add3A_417 = arith.addf %scan3A_312, %mul3A_416 : vector<16xf32>
      %mul3A_418 = arith.constant 256 : i32
      %mul3A_419 = arith.muli %scan3A_301, %mul3A_418 : i32
      %add3A_420 = arith.constant 176 : i32
      %add3A_421 = arith.addi %mul3A_419, %add3A_420 : i32
      %get3A_422 = arith.index_cast %add3A_421 : i32 to index
      %get3A_423 = tpu.vector_load %arg6[%get3A_422] {strides = array<i32>} : memref<16384xf32, #tpu.memory_space<vmem>>, vector<16xf32>,
      %sub3A_424 = arith.subf %gather3A, %get3A_423 : vector<16xf32>
      %mul3A_425 = arith.mulf %sub3A_424, %sub3A_424 : vector<16xf32>
      %add3A_426 = arith.addf %scan3A_313, %mul3A_425 : vector<16xf32>
      %mul3A_427 = arith.constant 256 : i32
      %mul3A_428 = arith.muli %scan3A_301, %mul3A_427 : i32
      %add3A_429 = arith.constant 192 : i32
      %add3A_430 = arith.addi %mul3A_428, %add3A_429 : i32
      %get3A_431 = arith.index_cast %add3A_430 : i32 to index
      %get3A_432 = tpu.vector_load %arg6[%get3A_431] {strides = array<i32>} : memref<16384xf32, #tpu.memory_space<vmem>>, vector<16xf32>,
      %sub3A_433 = arith.subf %gather3A, %get3A_432 : vector<16xf32>
      %mul3A_434 = arith.mulf %sub3A_433, %sub3A_433 : vector<16xf32>
      %add3A_435 = arith.addf %scan3A_314, %mul3A_434 : vector<16xf32>
      %mul3A_436 = arith.constant 256 : i32
      %mul3A_437 = arith.muli %scan3A_301, %mul3A_436 : i32
      %add3A_438 = arith.constant 208 : i32
      %add3A_439 = arith.addi %mul3A_437, %add3A_438 : i32
      %get3A_440 = arith.index_cast %add3A_439 : i32 to index
      %get3A_441 = tpu.vector_load %arg6[%get3A_440] {strides = array<i32>} : memref<16384xf32, #tpu.memory_space<vmem>>, vector<16xf32>,
      %sub3A_442 = arith.subf %gather3A, %get3A_441 : vector<16xf32>
      %mul3A_443 = arith.mulf %sub3A_442, %sub3A_442 : vector<16xf32>
      %add3A_444 = arith.addf %scan3A_315, %mul3A_443 : vector<16xf32>
      %mul3A_445 = arith.constant 256 : i32
      %mul3A_446 = arith.muli %scan3A_301, %mul3A_445 : i32
      %add3A_447 = arith.constant 224 : i32
      %add3A_448 = arith.addi %mul3A_446, %add3A_447 : i32
      %get3A_449 = arith.index_cast %add3A_448 : i32 to index
      %get3A_450 = tpu.vector_load %arg6[%get3A_449] {strides = array<i32>} : memref<16384xf32, #tpu.memory_space<vmem>>, vector<16xf32>,
      %sub3A_451 = arith.subf %gather3A, %get3A_450 : vector<16xf32>
      %mul3A_452 = arith.mulf %sub3A_451, %sub3A_451 : vector<16xf32>
      %add3A_453 = arith.addf %scan3A_316, %mul3A_452 : vector<16xf32>
      %mul3A_454 = arith.constant 256 : i32
      %mul3A_455 = arith.muli %scan3A_301, %mul3A_454 : i32
      %add3A_456 = arith.constant 240 : i32
      %add3A_457 = arith.addi %mul3A_455, %add3A_456 : i32
      %get3A_458 = arith.index_cast %add3A_457 : i32 to index
      %get3A_459 = tpu.vector_load %arg6[%get3A_458] {strides = array<i32>} : memref<16384xf32, #tpu.memory_space<vmem>>, vector<16xf32>,
      %sub3A_460 = arith.subf %gather3A, %get3A_459 : vector<16xf32>
      %mul3A_461 = arith.mulf %sub3A_460, %sub3A_460 : vector<16xf32>
      %add3A_462 = arith.addf %scan3A_317, %mul3A_461 : vector<16xf32>
      scf.yield %add3A_327, %add3A_336, %add3A_345, %add3A_354, %add3A_363, %add3A_372, %add3A_381, %add3A_390, %add3A_399, %add3A_408, %add3A_417, %add3A_426, %add3A_435, %add3A_444, %add3A_453, %add3A_462 : vector<16xf32>, vector<16xf32>, vector<16xf32>, vector<16xf32>, vector<16xf32>, vector<16xf32>, vector<16xf32>, vector<16xf32>, vector<16xf32>, vector<16xf32>, vector<16xf32>, vector<16xf32>, vector<16xf32>, vector<16xf32>, vector<16xf32>, vector<16xf32>
    }
    %scan3A_121 = arith.constant 16 : i32
    %dma_wait3A_122 = arith.constant 8192 : i32
    %dma_wait3A_123 = tpu.memref_slice %arg6[%dma_wait3A_122] : memref<16384xf32, #tpu.memory_space<vmem>> -> memref<4096xf32, #tpu.memory_space<vmem>>
    %dma_wait3A_124 = tpu.memref_slice %arg3[%add3A_52] : memref<32768xf32, #tpu.memory_space<hbm>> -> memref<4096xf32, #tpu.memory_space<hbm>>
    %dma_wait3A_125 = arith.constant 8192 : i32
    %dma_wait3A_126 = tpu.memref_slice %arg6[%dma_wait3A_125] : memref<16384xf32, #tpu.memory_space<vmem>> -> memref<4096xf32, #tpu.memory_space<vmem>>
    %dma_wait3A_127 = tpu.memref_slice %arg3[%add3A_52] : memref<32768xf32, #tpu.memory_space<hbm>> -> memref<4096xf32, #tpu.memory_space<hbm>>
    tpu.wait_dma2 semaphore(%arg14 : memref<!tpu.dma_semaphore, #tpu.memory_space<semaphore_mem>>) src(%dma_wait3A_127 : memref<4096xf32, #tpu.memory_space<hbm>>) dst(%dma_wait3A_126 : memref<4096xf32, #tpu.memory_space<vmem>>)
    %scan3A_128 = arith.constant 32 : i32
    %scan3A_129 = arith.constant 16 : i32
    %scan3A_130 = arith.addi %scan3A_128, %scan3A_129 : i32
    %scan3A_131 = arith.constant 1 : i32
    %scan3A_132:16 = scf.for %scan3A_301 = %scan3A_128 to %scan3A_130 step %scan3A_131 iter_args(%scan3A_302 = %scan3A_120#0, %scan3A_303 = %scan3A_120#1, %scan3A_304 = %scan3A_120#2, %scan3A_305 = %scan3A_120#3, %scan3A_306 = %scan3A_120#4, %scan3A_307 = %scan3A_120#5, %scan3A_308 = %scan3A_120#6, %scan3A_309 = %scan3A_120#7, %scan3A_310 = %scan3A_120#8, %scan3A_311 = %scan3A_120#9, %scan3A_312 = %scan3A_120#10, %scan3A_313 = %scan3A_120#11, %scan3A_314 = %scan3A_120#12, %scan3A_315 = %scan3A_120#13, %scan3A_316 = %scan3A_120#14, %scan3A_317 = %scan3A_120#15) -> (vector<16xf32>, vector<16xf32>, vector<16xf32>, vector<16xf32>, vector<16xf32>, vector<16xf32>, vector<16xf32>, vector<16xf32>, vector<16xf32>, vector<16xf32>, vector<16xf32>, vector<16xf32>, vector<16xf32>, vector<16xf32>, vector<16xf32>, vector<16xf32>)  : i32 {
      %broadcast_in_dim3A_318 = vector.broadcast %scan3A_301 : i32 to vector<16xi32>
      %gather3A = tpu.vector_load_idx %arg5[%broadcast_in_dim3A_318] : memref<64xf32, #tpu.memory_space<vmem>>[vector<16xi32>], vector<16xf32>,
      %mul3A_319 = arith.constant 256 : i32
      %mul3A_320 = arith.muli %scan3A_301, %mul3A_319 : i32
      %add3A_321 = arith.constant 0 : i32
      %add3A_322 = arith.addi %mul3A_320, %add3A_321 : i32
      %get3A_323 = arith.index_cast %add3A_322 : i32 to index
      %get3A_324 = tpu.vector_load %arg6[%get3A_323] {strides = array<i32>} : memref<16384xf32, #tpu.memory_space<vmem>>, vector<16xf32>,
      %sub3A_325 = arith.subf %gather3A, %get3A_324 : vector<16xf32>
      %mul3A_326 = arith.mulf %sub3A_325, %sub3A_325 : vector<16xf32>
      %add3A_327 = arith.addf %scan3A_302, %mul3A_326 : vector<16xf32>
      %mul3A_328 = arith.constant 256 : i32
      %mul3A_329 = arith.muli %scan3A_301, %mul3A_328 : i32
      %add3A_330 = arith.constant 16 : i32
      %add3A_331 = arith.addi %mul3A_329, %add3A_330 : i32
      %get3A_332 = arith.index_cast %add3A_331 : i32 to index
      %get3A_333 = tpu.vector_load %arg6[%get3A_332] {strides = array<i32>} : memref<16384xf32, #tpu.memory_space<vmem>>, vector<16xf32>,
      %sub3A_334 = arith.subf %gather3A, %get3A_333 : vector<16xf32>
      %mul3A_335 = arith.mulf %sub3A_334, %sub3A_334 : vector<16xf32>
      %add3A_336 = arith.addf %scan3A_303, %mul3A_335 : vector<16xf32>
      %mul3A_337 = arith.constant 256 : i32
      %mul3A_338 = arith.muli %scan3A_301, %mul3A_337 : i32
      %add3A_339 = arith.constant 32 : i32
      %add3A_340 = arith.addi %mul3A_338, %add3A_339 : i32
      %get3A_341 = arith.index_cast %add3A_340 : i32 to index
      %get3A_342 = tpu.vector_load %arg6[%get3A_341] {strides = array<i32>} : memref<16384xf32, #tpu.memory_space<vmem>>, vector<16xf32>,
      %sub3A_343 = arith.subf %gather3A, %get3A_342 : vector<16xf32>
      %mul3A_344 = arith.mulf %sub3A_343, %sub3A_343 : vector<16xf32>
      %add3A_345 = arith.addf %scan3A_304, %mul3A_344 : vector<16xf32>
      %mul3A_346 = arith.constant 256 : i32
      %mul3A_347 = arith.muli %scan3A_301, %mul3A_346 : i32
      %add3A_348 = arith.constant 48 : i32
      %add3A_349 = arith.addi %mul3A_347, %add3A_348 : i32
      %get3A_350 = arith.index_cast %add3A_349 : i32 to index
      %get3A_351 = tpu.vector_load %arg6[%get3A_350] {strides = array<i32>} : memref<16384xf32, #tpu.memory_space<vmem>>, vector<16xf32>,
      %sub3A_352 = arith.subf %gather3A, %get3A_351 : vector<16xf32>
      %mul3A_353 = arith.mulf %sub3A_352, %sub3A_352 : vector<16xf32>
      %add3A_354 = arith.addf %scan3A_305, %mul3A_353 : vector<16xf32>
      %mul3A_355 = arith.constant 256 : i32
      %mul3A_356 = arith.muli %scan3A_301, %mul3A_355 : i32
      %add3A_357 = arith.constant 64 : i32
      %add3A_358 = arith.addi %mul3A_356, %add3A_357 : i32
      %get3A_359 = arith.index_cast %add3A_358 : i32 to index
      %get3A_360 = tpu.vector_load %arg6[%get3A_359] {strides = array<i32>} : memref<16384xf32, #tpu.memory_space<vmem>>, vector<16xf32>,
      %sub3A_361 = arith.subf %gather3A, %get3A_360 : vector<16xf32>
      %mul3A_362 = arith.mulf %sub3A_361, %sub3A_361 : vector<16xf32>
      %add3A_363 = arith.addf %scan3A_306, %mul3A_362 : vector<16xf32>
      %mul3A_364 = arith.constant 256 : i32
      %mul3A_365 = arith.muli %scan3A_301, %mul3A_364 : i32
      %add3A_366 = arith.constant 80 : i32
      %add3A_367 = arith.addi %mul3A_365, %add3A_366 : i32
      %get3A_368 = arith.index_cast %add3A_367 : i32 to index
      %get3A_369 = tpu.vector_load %arg6[%get3A_368] {strides = array<i32>} : memref<16384xf32, #tpu.memory_space<vmem>>, vector<16xf32>,
      %sub3A_370 = arith.subf %gather3A, %get3A_369 : vector<16xf32>
      %mul3A_371 = arith.mulf %sub3A_370, %sub3A_370 : vector<16xf32>
      %add3A_372 = arith.addf %scan3A_307, %mul3A_371 : vector<16xf32>
      %mul3A_373 = arith.constant 256 : i32
      %mul3A_374 = arith.muli %scan3A_301, %mul3A_373 : i32
      %add3A_375 = arith.constant 96 : i32
      %add3A_376 = arith.addi %mul3A_374, %add3A_375 : i32
      %get3A_377 = arith.index_cast %add3A_376 : i32 to index
      %get3A_378 = tpu.vector_load %arg6[%get3A_377] {strides = array<i32>} : memref<16384xf32, #tpu.memory_space<vmem>>, vector<16xf32>,
      %sub3A_379 = arith.subf %gather3A, %get3A_378 : vector<16xf32>
      %mul3A_380 = arith.mulf %sub3A_379, %sub3A_379 : vector<16xf32>
      %add3A_381 = arith.addf %scan3A_308, %mul3A_380 : vector<16xf32>
      %mul3A_382 = arith.constant 256 : i32
      %mul3A_383 = arith.muli %scan3A_301, %mul3A_382 : i32
      %add3A_384 = arith.constant 112 : i32
      %add3A_385 = arith.addi %mul3A_383, %add3A_384 : i32
      %get3A_386 = arith.index_cast %add3A_385 : i32 to index
      %get3A_387 = tpu.vector_load %arg6[%get3A_386] {strides = array<i32>} : memref<16384xf32, #tpu.memory_space<vmem>>, vector<16xf32>,
      %sub3A_388 = arith.subf %gather3A, %get3A_387 : vector<16xf32>
      %mul3A_389 = arith.mulf %sub3A_388, %sub3A_388 : vector<16xf32>
      %add3A_390 = arith.addf %scan3A_309, %mul3A_389 : vector<16xf32>
      %mul3A_391 = arith.constant 256 : i32
      %mul3A_392 = arith.muli %scan3A_301, %mul3A_391 : i32
      %add3A_393 = arith.constant 128 : i32
      %add3A_394 = arith.addi %mul3A_392, %add3A_393 : i32
      %get3A_395 = arith.index_cast %add3A_394 : i32 to index
      %get3A_396 = tpu.vector_load %arg6[%get3A_395] {strides = array<i32>} : memref<16384xf32, #tpu.memory_space<vmem>>, vector<16xf32>,
      %sub3A_397 = arith.subf %gather3A, %get3A_396 : vector<16xf32>
      %mul3A_398 = arith.mulf %sub3A_397, %sub3A_397 : vector<16xf32>
      %add3A_399 = arith.addf %scan3A_310, %mul3A_398 : vector<16xf32>
      %mul3A_400 = arith.constant 256 : i32
      %mul3A_401 = arith.muli %scan3A_301, %mul3A_400 : i32
      %add3A_402 = arith.constant 144 : i32
      %add3A_403 = arith.addi %mul3A_401, %add3A_402 : i32
      %get3A_404 = arith.index_cast %add3A_403 : i32 to index
      %get3A_405 = tpu.vector_load %arg6[%get3A_404] {strides = array<i32>} : memref<16384xf32, #tpu.memory_space<vmem>>, vector<16xf32>,
      %sub3A_406 = arith.subf %gather3A, %get3A_405 : vector<16xf32>
      %mul3A_407 = arith.mulf %sub3A_406, %sub3A_406 : vector<16xf32>
      %add3A_408 = arith.addf %scan3A_311, %mul3A_407 : vector<16xf32>
      %mul3A_409 = arith.constant 256 : i32
      %mul3A_410 = arith.muli %scan3A_301, %mul3A_409 : i32
      %add3A_411 = arith.constant 160 : i32
      %add3A_412 = arith.addi %mul3A_410, %add3A_411 : i32
      %get3A_413 = arith.index_cast %add3A_412 : i32 to index
      %get3A_414 = tpu.vector_load %arg6[%get3A_413] {strides = array<i32>} : memref<16384xf32, #tpu.memory_space<vmem>>, vector<16xf32>,
      %sub3A_415 = arith.subf %gather3A, %get3A_414 : vector<16xf32>
      %mul3A_416 = arith.mulf %sub3A_415, %sub3A_415 : vector<16xf32>
      %add3A_417 = arith.addf %scan3A_312, %mul3A_416 : vector<16xf32>
      %mul3A_418 = arith.constant 256 : i32
      %mul3A_419 = arith.muli %scan3A_301, %mul3A_418 : i32
      %add3A_420 = arith.constant 176 : i32
      %add3A_421 = arith.addi %mul3A_419, %add3A_420 : i32
      %get3A_422 = arith.index_cast %add3A_421 : i32 to index
      %get3A_423 = tpu.vector_load %arg6[%get3A_422] {strides = array<i32>} : memref<16384xf32, #tpu.memory_space<vmem>>, vector<16xf32>,
      %sub3A_424 = arith.subf %gather3A, %get3A_423 : vector<16xf32>
      %mul3A_425 = arith.mulf %sub3A_424, %sub3A_424 : vector<16xf32>
      %add3A_426 = arith.addf %scan3A_313, %mul3A_425 : vector<16xf32>
      %mul3A_427 = arith.constant 256 : i32
      %mul3A_428 = arith.muli %scan3A_301, %mul3A_427 : i32
      %add3A_429 = arith.constant 192 : i32
      %add3A_430 = arith.addi %mul3A_428, %add3A_429 : i32
      %get3A_431 = arith.index_cast %add3A_430 : i32 to index
      %get3A_432 = tpu.vector_load %arg6[%get3A_431] {strides = array<i32>} : memref<16384xf32, #tpu.memory_space<vmem>>, vector<16xf32>,
      %sub3A_433 = arith.subf %gather3A, %get3A_432 : vector<16xf32>
      %mul3A_434 = arith.mulf %sub3A_433, %sub3A_433 : vector<16xf32>
      %add3A_435 = arith.addf %scan3A_314, %mul3A_434 : vector<16xf32>
      %mul3A_436 = arith.constant 256 : i32
      %mul3A_437 = arith.muli %scan3A_301, %mul3A_436 : i32
      %add3A_438 = arith.constant 208 : i32
      %add3A_439 = arith.addi %mul3A_437, %add3A_438 : i32
      %get3A_440 = arith.index_cast %add3A_439 : i32 to index
      %get3A_441 = tpu.vector_load %arg6[%get3A_440] {strides = array<i32>} : memref<16384xf32, #tpu.memory_space<vmem>>, vector<16xf32>,
      %sub3A_442 = arith.subf %gather3A, %get3A_441 : vector<16xf32>
      %mul3A_443 = arith.mulf %sub3A_442, %sub3A_442 : vector<16xf32>
      %add3A_444 = arith.addf %scan3A_315, %mul3A_443 : vector<16xf32>
      %mul3A_445 = arith.constant 256 : i32
      %mul3A_446 = arith.muli %scan3A_301, %mul3A_445 : i32
      %add3A_447 = arith.constant 224 : i32
      %add3A_448 = arith.addi %mul3A_446, %add3A_447 : i32
      %get3A_449 = arith.index_cast %add3A_448 : i32 to index
      %get3A_450 = tpu.vector_load %arg6[%get3A_449] {strides = array<i32>} : memref<16384xf32, #tpu.memory_space<vmem>>, vector<16xf32>,
      %sub3A_451 = arith.subf %gather3A, %get3A_450 : vector<16xf32>
      %mul3A_452 = arith.mulf %sub3A_451, %sub3A_451 : vector<16xf32>
      %add3A_453 = arith.addf %scan3A_316, %mul3A_452 : vector<16xf32>
      %mul3A_454 = arith.constant 256 : i32
      %mul3A_455 = arith.muli %scan3A_301, %mul3A_454 : i32
      %add3A_456 = arith.constant 240 : i32
      %add3A_457 = arith.addi %mul3A_455, %add3A_456 : i32
      %get3A_458 = arith.index_cast %add3A_457 : i32 to index
      %get3A_459 = tpu.vector_load %arg6[%get3A_458] {strides = array<i32>} : memref<16384xf32, #tpu.memory_space<vmem>>, vector<16xf32>,
      %sub3A_460 = arith.subf %gather3A, %get3A_459 : vector<16xf32>
      %mul3A_461 = arith.mulf %sub3A_460, %sub3A_460 : vector<16xf32>
      %add3A_462 = arith.addf %scan3A_317, %mul3A_461 : vector<16xf32>
      scf.yield %add3A_327, %add3A_336, %add3A_345, %add3A_354, %add3A_363, %add3A_372, %add3A_381, %add3A_390, %add3A_399, %add3A_408, %add3A_417, %add3A_426, %add3A_435, %add3A_444, %add3A_453, %add3A_462 : vector<16xf32>, vector<16xf32>, vector<16xf32>, vector<16xf32>, vector<16xf32>, vector<16xf32>, vector<16xf32>, vector<16xf32>, vector<16xf32>, vector<16xf32>, vector<16xf32>, vector<16xf32>, vector<16xf32>, vector<16xf32>, vector<16xf32>, vector<16xf32>
    }
    %scan3A_133 = arith.constant 16 : i32
    %dma_wait3A_134 = arith.constant 12288 : i32
    %dma_wait3A_135 = tpu.memref_slice %arg6[%dma_wait3A_134] : memref<16384xf32, #tpu.memory_space<vmem>> -> memref<4096xf32, #tpu.memory_space<vmem>>
    %dma_wait3A_136 = tpu.memref_slice %arg3[%add3A_60] : memref<32768xf32, #tpu.memory_space<hbm>> -> memref<4096xf32, #tpu.memory_space<hbm>>
    %dma_wait3A_137 = arith.constant 12288 : i32
    %dma_wait3A_138 = tpu.memref_slice %arg6[%dma_wait3A_137] : memref<16384xf32, #tpu.memory_space<vmem>> -> memref<4096xf32, #tpu.memory_space<vmem>>
    %dma_wait3A_139 = tpu.memref_slice %arg3[%add3A_60] : memref<32768xf32, #tpu.memory_space<hbm>> -> memref<4096xf32, #tpu.memory_space<hbm>>
    tpu.wait_dma2 semaphore(%arg15 : memref<!tpu.dma_semaphore, #tpu.memory_space<semaphore_mem>>) src(%dma_wait3A_139 : memref<4096xf32, #tpu.memory_space<hbm>>) dst(%dma_wait3A_138 : memref<4096xf32, #tpu.memory_space<vmem>>)
    %scan3A_140 = arith.constant 48 : i32
    %scan3A_141 = arith.constant 16 : i32
    %scan3A_142 = arith.addi %scan3A_140, %scan3A_141 : i32
    %scan3A_143 = arith.constant 1 : i32
    %scan3A_144:16 = scf.for %scan3A_301 = %scan3A_140 to %scan3A_142 step %scan3A_143 iter_args(%scan3A_302 = %scan3A_132#0, %scan3A_303 = %scan3A_132#1, %scan3A_304 = %scan3A_132#2, %scan3A_305 = %scan3A_132#3, %scan3A_306 = %scan3A_132#4, %scan3A_307 = %scan3A_132#5, %scan3A_308 = %scan3A_132#6, %scan3A_309 = %scan3A_132#7, %scan3A_310 = %scan3A_132#8, %scan3A_311 = %scan3A_132#9, %scan3A_312 = %scan3A_132#10, %scan3A_313 = %scan3A_132#11, %scan3A_314 = %scan3A_132#12, %scan3A_315 = %scan3A_132#13, %scan3A_316 = %scan3A_132#14, %scan3A_317 = %scan3A_132#15) -> (vector<16xf32>, vector<16xf32>, vector<16xf32>, vector<16xf32>, vector<16xf32>, vector<16xf32>, vector<16xf32>, vector<16xf32>, vector<16xf32>, vector<16xf32>, vector<16xf32>, vector<16xf32>, vector<16xf32>, vector<16xf32>, vector<16xf32>, vector<16xf32>)  : i32 {
      %broadcast_in_dim3A_318 = vector.broadcast %scan3A_301 : i32 to vector<16xi32>
      %gather3A = tpu.vector_load_idx %arg5[%broadcast_in_dim3A_318] : memref<64xf32, #tpu.memory_space<vmem>>[vector<16xi32>], vector<16xf32>,
      %mul3A_319 = arith.constant 256 : i32
      %mul3A_320 = arith.muli %scan3A_301, %mul3A_319 : i32
      %add3A_321 = arith.constant 0 : i32
      %add3A_322 = arith.addi %mul3A_320, %add3A_321 : i32
      %get3A_323 = arith.index_cast %add3A_322 : i32 to index
      %get3A_324 = tpu.vector_load %arg6[%get3A_323] {strides = array<i32>} : memref<16384xf32, #tpu.memory_space<vmem>>, vector<16xf32>,
      %sub3A_325 = arith.subf %gather3A, %get3A_324 : vector<16xf32>
      %mul3A_326 = arith.mulf %sub3A_325, %sub3A_325 : vector<16xf32>
      %add3A_327 = arith.addf %scan3A_302, %mul3A_326 : vector<16xf32>
      %mul3A_328 = arith.constant 256 : i32
      %mul3A_329 = arith.muli %scan3A_301, %mul3A_328 : i32
      %add3A_330 = arith.constant 16 : i32
      %add3A_331 = arith.addi %mul3A_329, %add3A_330 : i32
      %get3A_332 = arith.index_cast %add3A_331 : i32 to index
      %get3A_333 = tpu.vector_load %arg6[%get3A_332] {strides = array<i32>} : memref<16384xf32, #tpu.memory_space<vmem>>, vector<16xf32>,
      %sub3A_334 = arith.subf %gather3A, %get3A_333 : vector<16xf32>
      %mul3A_335 = arith.mulf %sub3A_334, %sub3A_334 : vector<16xf32>
      %add3A_336 = arith.addf %scan3A_303, %mul3A_335 : vector<16xf32>
      %mul3A_337 = arith.constant 256 : i32
      %mul3A_338 = arith.muli %scan3A_301, %mul3A_337 : i32
      %add3A_339 = arith.constant 32 : i32
      %add3A_340 = arith.addi %mul3A_338, %add3A_339 : i32
      %get3A_341 = arith.index_cast %add3A_340 : i32 to index
      %get3A_342 = tpu.vector_load %arg6[%get3A_341] {strides = array<i32>} : memref<16384xf32, #tpu.memory_space<vmem>>, vector<16xf32>,
      %sub3A_343 = arith.subf %gather3A, %get3A_342 : vector<16xf32>
      %mul3A_344 = arith.mulf %sub3A_343, %sub3A_343 : vector<16xf32>
      %add3A_345 = arith.addf %scan3A_304, %mul3A_344 : vector<16xf32>
      %mul3A_346 = arith.constant 256 : i32
      %mul3A_347 = arith.muli %scan3A_301, %mul3A_346 : i32
      %add3A_348 = arith.constant 48 : i32
      %add3A_349 = arith.addi %mul3A_347, %add3A_348 : i32
      %get3A_350 = arith.index_cast %add3A_349 : i32 to index
      %get3A_351 = tpu.vector_load %arg6[%get3A_350] {strides = array<i32>} : memref<16384xf32, #tpu.memory_space<vmem>>, vector<16xf32>,
      %sub3A_352 = arith.subf %gather3A, %get3A_351 : vector<16xf32>
      %mul3A_353 = arith.mulf %sub3A_352, %sub3A_352 : vector<16xf32>
      %add3A_354 = arith.addf %scan3A_305, %mul3A_353 : vector<16xf32>
      %mul3A_355 = arith.constant 256 : i32
      %mul3A_356 = arith.muli %scan3A_301, %mul3A_355 : i32
      %add3A_357 = arith.constant 64 : i32
      %add3A_358 = arith.addi %mul3A_356, %add3A_357 : i32
      %get3A_359 = arith.index_cast %add3A_358 : i32 to index
      %get3A_360 = tpu.vector_load %arg6[%get3A_359] {strides = array<i32>} : memref<16384xf32, #tpu.memory_space<vmem>>, vector<16xf32>,
      %sub3A_361 = arith.subf %gather3A, %get3A_360 : vector<16xf32>
      %mul3A_362 = arith.mulf %sub3A_361, %sub3A_361 : vector<16xf32>
      %add3A_363 = arith.addf %scan3A_306, %mul3A_362 : vector<16xf32>
      %mul3A_364 = arith.constant 256 : i32
      %mul3A_365 = arith.muli %scan3A_301, %mul3A_364 : i32
      %add3A_366 = arith.constant 80 : i32
      %add3A_367 = arith.addi %mul3A_365, %add3A_366 : i32
      %get3A_368 = arith.index_cast %add3A_367 : i32 to index
      %get3A_369 = tpu.vector_load %arg6[%get3A_368] {strides = array<i32>} : memref<16384xf32, #tpu.memory_space<vmem>>, vector<16xf32>,
      %sub3A_370 = arith.subf %gather3A, %get3A_369 : vector<16xf32>
      %mul3A_371 = arith.mulf %sub3A_370, %sub3A_370 : vector<16xf32>
      %add3A_372 = arith.addf %scan3A_307, %mul3A_371 : vector<16xf32>
      %mul3A_373 = arith.constant 256 : i32
      %mul3A_374 = arith.muli %scan3A_301, %mul3A_373 : i32
      %add3A_375 = arith.constant 96 : i32
      %add3A_376 = arith.addi %mul3A_374, %add3A_375 : i32
      %get3A_377 = arith.index_cast %add3A_376 : i32 to index
      %get3A_378 = tpu.vector_load %arg6[%get3A_377] {strides = array<i32>} : memref<16384xf32, #tpu.memory_space<vmem>>, vector<16xf32>,
      %sub3A_379 = arith.subf %gather3A, %get3A_378 : vector<16xf32>
      %mul3A_380 = arith.mulf %sub3A_379, %sub3A_379 : vector<16xf32>
      %add3A_381 = arith.addf %scan3A_308, %mul3A_380 : vector<16xf32>
      %mul3A_382 = arith.constant 256 : i32
      %mul3A_383 = arith.muli %scan3A_301, %mul3A_382 : i32
      %add3A_384 = arith.constant 112 : i32
      %add3A_385 = arith.addi %mul3A_383, %add3A_384 : i32
      %get3A_386 = arith.index_cast %add3A_385 : i32 to index
      %get3A_387 = tpu.vector_load %arg6[%get3A_386] {strides = array<i32>} : memref<16384xf32, #tpu.memory_space<vmem>>, vector<16xf32>,
      %sub3A_388 = arith.subf %gather3A, %get3A_387 : vector<16xf32>
      %mul3A_389 = arith.mulf %sub3A_388, %sub3A_388 : vector<16xf32>
      %add3A_390 = arith.addf %scan3A_309, %mul3A_389 : vector<16xf32>
      %mul3A_391 = arith.constant 256 : i32
      %mul3A_392 = arith.muli %scan3A_301, %mul3A_391 : i32
      %add3A_393 = arith.constant 128 : i32
      %add3A_394 = arith.addi %mul3A_392, %add3A_393 : i32
      %get3A_395 = arith.index_cast %add3A_394 : i32 to index
      %get3A_396 = tpu.vector_load %arg6[%get3A_395] {strides = array<i32>} : memref<16384xf32, #tpu.memory_space<vmem>>, vector<16xf32>,
      %sub3A_397 = arith.subf %gather3A, %get3A_396 : vector<16xf32>
      %mul3A_398 = arith.mulf %sub3A_397, %sub3A_397 : vector<16xf32>
      %add3A_399 = arith.addf %scan3A_310, %mul3A_398 : vector<16xf32>
      %mul3A_400 = arith.constant 256 : i32
      %mul3A_401 = arith.muli %scan3A_301, %mul3A_400 : i32
      %add3A_402 = arith.constant 144 : i32
      %add3A_403 = arith.addi %mul3A_401, %add3A_402 : i32
      %get3A_404 = arith.index_cast %add3A_403 : i32 to index
      %get3A_405 = tpu.vector_load %arg6[%get3A_404] {strides = array<i32>} : memref<16384xf32, #tpu.memory_space<vmem>>, vector<16xf32>,
      %sub3A_406 = arith.subf %gather3A, %get3A_405 : vector<16xf32>
      %mul3A_407 = arith.mulf %sub3A_406, %sub3A_406 : vector<16xf32>
      %add3A_408 = arith.addf %scan3A_311, %mul3A_407 : vector<16xf32>
      %mul3A_409 = arith.constant 256 : i32
      %mul3A_410 = arith.muli %scan3A_301, %mul3A_409 : i32
      %add3A_411 = arith.constant 160 : i32
      %add3A_412 = arith.addi %mul3A_410, %add3A_411 : i32
      %get3A_413 = arith.index_cast %add3A_412 : i32 to index
      %get3A_414 = tpu.vector_load %arg6[%get3A_413] {strides = array<i32>} : memref<16384xf32, #tpu.memory_space<vmem>>, vector<16xf32>,
      %sub3A_415 = arith.subf %gather3A, %get3A_414 : vector<16xf32>
      %mul3A_416 = arith.mulf %sub3A_415, %sub3A_415 : vector<16xf32>
      %add3A_417 = arith.addf %scan3A_312, %mul3A_416 : vector<16xf32>
      %mul3A_418 = arith.constant 256 : i32
      %mul3A_419 = arith.muli %scan3A_301, %mul3A_418 : i32
      %add3A_420 = arith.constant 176 : i32
      %add3A_421 = arith.addi %mul3A_419, %add3A_420 : i32
      %get3A_422 = arith.index_cast %add3A_421 : i32 to index
      %get3A_423 = tpu.vector_load %arg6[%get3A_422] {strides = array<i32>} : memref<16384xf32, #tpu.memory_space<vmem>>, vector<16xf32>,
      %sub3A_424 = arith.subf %gather3A, %get3A_423 : vector<16xf32>
      %mul3A_425 = arith.mulf %sub3A_424, %sub3A_424 : vector<16xf32>
      %add3A_426 = arith.addf %scan3A_313, %mul3A_425 : vector<16xf32>
      %mul3A_427 = arith.constant 256 : i32
      %mul3A_428 = arith.muli %scan3A_301, %mul3A_427 : i32
      %add3A_429 = arith.constant 192 : i32
      %add3A_430 = arith.addi %mul3A_428, %add3A_429 : i32
      %get3A_431 = arith.index_cast %add3A_430 : i32 to index
      %get3A_432 = tpu.vector_load %arg6[%get3A_431] {strides = array<i32>} : memref<16384xf32, #tpu.memory_space<vmem>>, vector<16xf32>,
      %sub3A_433 = arith.subf %gather3A, %get3A_432 : vector<16xf32>
      %mul3A_434 = arith.mulf %sub3A_433, %sub3A_433 : vector<16xf32>
      %add3A_435 = arith.addf %scan3A_314, %mul3A_434 : vector<16xf32>
      %mul3A_436 = arith.constant 256 : i32
      %mul3A_437 = arith.muli %scan3A_301, %mul3A_436 : i32
      %add3A_438 = arith.constant 208 : i32
      %add3A_439 = arith.addi %mul3A_437, %add3A_438 : i32
      %get3A_440 = arith.index_cast %add3A_439 : i32 to index
      %get3A_441 = tpu.vector_load %arg6[%get3A_440] {strides = array<i32>} : memref<16384xf32, #tpu.memory_space<vmem>>, vector<16xf32>,
      %sub3A_442 = arith.subf %gather3A, %get3A_441 : vector<16xf32>
      %mul3A_443 = arith.mulf %sub3A_442, %sub3A_442 : vector<16xf32>
      %add3A_444 = arith.addf %scan3A_315, %mul3A_443 : vector<16xf32>
      %mul3A_445 = arith.constant 256 : i32
      %mul3A_446 = arith.muli %scan3A_301, %mul3A_445 : i32
      %add3A_447 = arith.constant 224 : i32
      %add3A_448 = arith.addi %mul3A_446, %add3A_447 : i32
      %get3A_449 = arith.index_cast %add3A_448 : i32 to index
      %get3A_450 = tpu.vector_load %arg6[%get3A_449] {strides = array<i32>} : memref<16384xf32, #tpu.memory_space<vmem>>, vector<16xf32>,
      %sub3A_451 = arith.subf %gather3A, %get3A_450 : vector<16xf32>
      %mul3A_452 = arith.mulf %sub3A_451, %sub3A_451 : vector<16xf32>
      %add3A_453 = arith.addf %scan3A_316, %mul3A_452 : vector<16xf32>
      %mul3A_454 = arith.constant 256 : i32
      %mul3A_455 = arith.muli %scan3A_301, %mul3A_454 : i32
      %add3A_456 = arith.constant 240 : i32
      %add3A_457 = arith.addi %mul3A_455, %add3A_456 : i32
      %get3A_458 = arith.index_cast %add3A_457 : i32 to index
      %get3A_459 = tpu.vector_load %arg6[%get3A_458] {strides = array<i32>} : memref<16384xf32, #tpu.memory_space<vmem>>, vector<16xf32>,
      %sub3A_460 = arith.subf %gather3A, %get3A_459 : vector<16xf32>
      %mul3A_461 = arith.mulf %sub3A_460, %sub3A_460 : vector<16xf32>
      %add3A_462 = arith.addf %scan3A_317, %mul3A_461 : vector<16xf32>
      scf.yield %add3A_327, %add3A_336, %add3A_345, %add3A_354, %add3A_363, %add3A_372, %add3A_381, %add3A_390, %add3A_399, %add3A_408, %add3A_417, %add3A_426, %add3A_435, %add3A_444, %add3A_453, %add3A_462 : vector<16xf32>, vector<16xf32>, vector<16xf32>, vector<16xf32>, vector<16xf32>, vector<16xf32>, vector<16xf32>, vector<16xf32>, vector<16xf32>, vector<16xf32>, vector<16xf32>, vector<16xf32>, vector<16xf32>, vector<16xf32>, vector<16xf32>, vector<16xf32>
    }
    %scan3A_145 = arith.constant 16 : i32
    %lt3A_146 = arith.cmpf olt, %scan3A_144#1, %scan3A_144#0 : vector<16xf32>
    %select_n3A_147 = arith.select %lt3A_146, %scan3A_144#1, %scan3A_144#0 : vector<16xi1>, vector<16xf32>
    %add3A_148 = arith.constant 16 : i32
    %add3A_149 = vector.broadcast %add3A_148 : i32 to vector<16xi32>
    %add3A_150 = arith.addi %add3A_149, %iota3A : vector<16xi32>
    %select_n3A_151 = arith.select %lt3A_146, %add3A_150, %iota3A : vector<16xi1>, vector<16xi32>
    %lt3A_152 = arith.cmpf olt, %scan3A_144#2, %select_n3A_147 : vector<16xf32>
    %select_n3A_153 = arith.select %lt3A_152, %scan3A_144#2, %select_n3A_147 : vector<16xi1>, vector<16xf32>
    %add3A_154 = arith.constant 32 : i32
    %add3A_155 = vector.broadcast %add3A_154 : i32 to vector<16xi32>
    %add3A_156 = arith.addi %add3A_155, %iota3A : vector<16xi32>
    %select_n3A_157 = arith.select %lt3A_152, %add3A_156, %select_n3A_151 : vector<16xi1>, vector<16xi32>
    %lt3A_158 = arith.cmpf olt, %scan3A_144#3, %select_n3A_153 : vector<16xf32>
    %select_n3A_159 = arith.select %lt3A_158, %scan3A_144#3, %select_n3A_153 : vector<16xi1>, vector<16xf32>
    %add3A_160 = arith.constant 48 : i32
    %add3A_161 = vector.broadcast %add3A_160 : i32 to vector<16xi32>
    %add3A_162 = arith.addi %add3A_161, %iota3A : vector<16xi32>
    %select_n3A_163 = arith.select %lt3A_158, %add3A_162, %select_n3A_157 : vector<16xi1>, vector<16xi32>
    %lt3A_164 = arith.cmpf olt, %scan3A_144#4, %select_n3A_159 : vector<16xf32>
    %select_n3A_165 = arith.select %lt3A_164, %scan3A_144#4, %select_n3A_159 : vector<16xi1>, vector<16xf32>
    %add3A_166 = arith.constant 64 : i32
    %add3A_167 = vector.broadcast %add3A_166 : i32 to vector<16xi32>
    %add3A_168 = arith.addi %add3A_167, %iota3A : vector<16xi32>
    %select_n3A_169 = arith.select %lt3A_164, %add3A_168, %select_n3A_163 : vector<16xi1>, vector<16xi32>
    %lt3A_170 = arith.cmpf olt, %scan3A_144#5, %select_n3A_165 : vector<16xf32>
    %select_n3A_171 = arith.select %lt3A_170, %scan3A_144#5, %select_n3A_165 : vector<16xi1>, vector<16xf32>
    %add3A_172 = arith.constant 80 : i32
    %add3A_173 = vector.broadcast %add3A_172 : i32 to vector<16xi32>
    %add3A_174 = arith.addi %add3A_173, %iota3A : vector<16xi32>
    %select_n3A_175 = arith.select %lt3A_170, %add3A_174, %select_n3A_169 : vector<16xi1>, vector<16xi32>
    %lt3A_176 = arith.cmpf olt, %scan3A_144#6, %select_n3A_171 : vector<16xf32>
    %select_n3A_177 = arith.select %lt3A_176, %scan3A_144#6, %select_n3A_171 : vector<16xi1>, vector<16xf32>
    %add3A_178 = arith.constant 96 : i32
    %add3A_179 = vector.broadcast %add3A_178 : i32 to vector<16xi32>
    %add3A_180 = arith.addi %add3A_179, %iota3A : vector<16xi32>
    %select_n3A_181 = arith.select %lt3A_176, %add3A_180, %select_n3A_175 : vector<16xi1>, vector<16xi32>
    %lt3A_182 = arith.cmpf olt, %scan3A_144#7, %select_n3A_177 : vector<16xf32>
    %select_n3A_183 = arith.select %lt3A_182, %scan3A_144#7, %select_n3A_177 : vector<16xi1>, vector<16xf32>
    %add3A_184 = arith.constant 112 : i32
    %add3A_185 = vector.broadcast %add3A_184 : i32 to vector<16xi32>
    %add3A_186 = arith.addi %add3A_185, %iota3A : vector<16xi32>
    %select_n3A_187 = arith.select %lt3A_182, %add3A_186, %select_n3A_181 : vector<16xi1>, vector<16xi32>
    %lt3A_188 = arith.cmpf olt, %scan3A_144#8, %select_n3A_183 : vector<16xf32>
    %select_n3A_189 = arith.select %lt3A_188, %scan3A_144#8, %select_n3A_183 : vector<16xi1>, vector<16xf32>
    %add3A_190 = arith.constant 128 : i32
    %add3A_191 = vector.broadcast %add3A_190 : i32 to vector<16xi32>
    %add3A_192 = arith.addi %add3A_191, %iota3A : vector<16xi32>
    %select_n3A_193 = arith.select %lt3A_188, %add3A_192, %select_n3A_187 : vector<16xi1>, vector<16xi32>
    %lt3A_194 = arith.cmpf olt, %scan3A_144#9, %select_n3A_189 : vector<16xf32>
    %select_n3A_195 = arith.select %lt3A_194, %scan3A_144#9, %select_n3A_189 : vector<16xi1>, vector<16xf32>
    %add3A_196 = arith.constant 144 : i32
    %add3A_197 = vector.broadcast %add3A_196 : i32 to vector<16xi32>
    %add3A_198 = arith.addi %add3A_197, %iota3A : vector<16xi32>
    %select_n3A_199 = arith.select %lt3A_194, %add3A_198, %select_n3A_193 : vector<16xi1>, vector<16xi32>
    %lt3A_200 = arith.cmpf olt, %scan3A_144#10, %select_n3A_195 : vector<16xf32>
    %select_n3A_201 = arith.select %lt3A_200, %scan3A_144#10, %select_n3A_195 : vector<16xi1>, vector<16xf32>
    %add3A_202 = arith.constant 160 : i32
    %add3A_203 = vector.broadcast %add3A_202 : i32 to vector<16xi32>
    %add3A_204 = arith.addi %add3A_203, %iota3A : vector<16xi32>
    %select_n3A_205 = arith.select %lt3A_200, %add3A_204, %select_n3A_199 : vector<16xi1>, vector<16xi32>
    %lt3A_206 = arith.cmpf olt, %scan3A_144#11, %select_n3A_201 : vector<16xf32>
    %select_n3A_207 = arith.select %lt3A_206, %scan3A_144#11, %select_n3A_201 : vector<16xi1>, vector<16xf32>
    %add3A_208 = arith.constant 176 : i32
    %add3A_209 = vector.broadcast %add3A_208 : i32 to vector<16xi32>
    %add3A_210 = arith.addi %add3A_209, %iota3A : vector<16xi32>
    %select_n3A_211 = arith.select %lt3A_206, %add3A_210, %select_n3A_205 : vector<16xi1>, vector<16xi32>
    %lt3A_212 = arith.cmpf olt, %scan3A_144#12, %select_n3A_207 : vector<16xf32>
    %select_n3A_213 = arith.select %lt3A_212, %scan3A_144#12, %select_n3A_207 : vector<16xi1>, vector<16xf32>
    %add3A_214 = arith.constant 192 : i32
    %add3A_215 = vector.broadcast %add3A_214 : i32 to vector<16xi32>
    %add3A_216 = arith.addi %add3A_215, %iota3A : vector<16xi32>
    %select_n3A_217 = arith.select %lt3A_212, %add3A_216, %select_n3A_211 : vector<16xi1>, vector<16xi32>
    %lt3A_218 = arith.cmpf olt, %scan3A_144#13, %select_n3A_213 : vector<16xf32>
    %select_n3A_219 = arith.select %lt3A_218, %scan3A_144#13, %select_n3A_213 : vector<16xi1>, vector<16xf32>
    %add3A_220 = arith.constant 208 : i32
    %add3A_221 = vector.broadcast %add3A_220 : i32 to vector<16xi32>
    %add3A_222 = arith.addi %add3A_221, %iota3A : vector<16xi32>
    %select_n3A_223 = arith.select %lt3A_218, %add3A_222, %select_n3A_217 : vector<16xi1>, vector<16xi32>
    %lt3A_224 = arith.cmpf olt, %scan3A_144#14, %select_n3A_219 : vector<16xf32>
    %select_n3A_225 = arith.select %lt3A_224, %scan3A_144#14, %select_n3A_219 : vector<16xi1>, vector<16xf32>
    %add3A_226 = arith.constant 224 : i32
    %add3A_227 = vector.broadcast %add3A_226 : i32 to vector<16xi32>
    %add3A_228 = arith.addi %add3A_227, %iota3A : vector<16xi32>
    %select_n3A_229 = arith.select %lt3A_224, %add3A_228, %select_n3A_223 : vector<16xi1>, vector<16xi32>
    %lt3A_230 = arith.cmpf olt, %scan3A_144#15, %select_n3A_225 : vector<16xf32>
    %select_n3A_231 = arith.select %lt3A_230, %scan3A_144#15, %select_n3A_225 : vector<16xi1>, vector<16xf32>
    %add3A_232 = arith.constant 240 : i32
    %add3A_233 = vector.broadcast %add3A_232 : i32 to vector<16xi32>
    %add3A_234 = arith.addi %add3A_233, %iota3A : vector<16xi32>
    %select_n3A_235 = arith.select %lt3A_230, %add3A_234, %select_n3A_229 : vector<16xi1>, vector<16xi32>
    %reduce_min3A = arith.constant true
    %reduce_min3A_236 = vector.broadcast %reduce_min3A : i1 to vector<16xi1>
    %reduce_min3A_237 = tpu.scan <min>, %select_n3A_231 masked %reduce_min3A_236 : vector<16xf32>, vector<16xi1> -> vector<16xf32>
    %reduce_min3A_238 = vector.extract %reduce_min3A_237[15] : f32 from vector<16xf32>
    %eq3A_239 = vector.broadcast %reduce_min3A_238 : f32 to vector<16xf32>
    %eq3A_240 = arith.cmpf oeq, %select_n3A_231, %eq3A_239 : vector<16xf32>
    %jit3A_241 = arith.constant 1073741824 : i32
    %broadcast_in_dim3A_242 = vector.broadcast %jit3A_241 : i32 to vector<16xi32>
    %select_n3A_243 = arith.select %eq3A_240, %select_n3A_235, %broadcast_in_dim3A_242 : vector<16xi1>, vector<16xi32>
    %reduce_min3A_244 = arith.constant true
    %reduce_min3A_245 = vector.broadcast %reduce_min3A_244 : i1 to vector<16xi1>
    %reduce_min3A_246 = arith.constant -2147483648 : i32
    %reduce_min3A_247 = vector.broadcast %reduce_min3A_246 : i32 to vector<16xi32>
    %reduce_min3A_248 = arith.xori %select_n3A_243, %reduce_min3A_247 : vector<16xi32>
    %reduce_min3A_249 = tpu.scan <min>, %reduce_min3A_248 masked %reduce_min3A_245 : vector<16xi32>, vector<16xi1> -> vector<16xi32>
    %reduce_min3A_250 = arith.xori %reduce_min3A_249, %reduce_min3A_247 : vector<16xi32>
    %reduce_min3A_251 = vector.extract %reduce_min3A_250[15] : i32 from vector<16xi32>
    %broadcast_in_dim3A_252 = vector.broadcast %reduce_min3A_238 : f32 to vector<16xf32>
    %swap3A = arith.constant 0 : index
    %swap3A_253 = tpu.vector_load %arg7[%swap3A] {strides = array<i32>} : memref<16xf32, #tpu.memory_space<vmem>>, vector<16xf32>,
    tpu.vector_store %arg7[%swap3A], %broadcast_in_dim3A_252 {strides = array<i32>} : memref<16xf32, #tpu.memory_space<vmem>>, vector<16xf32>,
    %mul3A_254 = arith.constant 16 : i32
    %mul3A_255 = arith.muli %arg1, %mul3A_254 : i32
    "tpu.region"() ({
      %run_scoped3A = tpu.sem_alloc : memref<!tpu.dma_semaphore, #tpu.memory_space<semaphore_mem>>
      %dma_start3A_301 = tpu.memref_slice %arg10[%mul3A_255] : memref<256xf32, #tpu.memory_space<vmem_shared>> -> memref<16xf32, #tpu.memory_space<vmem_shared>>
      %dma_start3A_302 = tpu.memref_slice %arg10[%mul3A_255] : memref<256xf32, #tpu.memory_space<vmem_shared>> -> memref<16xf32, #tpu.memory_space<vmem_shared>>
      tpu.enqueue_dma source(%arg7 : memref<16xf32, #tpu.memory_space<vmem>>) target(%dma_start3A_302 : memref<16xf32, #tpu.memory_space<vmem_shared>>) target_semaphore(%run_scoped3A : memref<!tpu.dma_semaphore, #tpu.memory_space<semaphore_mem>>)
      %dma_wait3A_303 = tpu.memref_slice %arg10[%mul3A_255] : memref<256xf32, #tpu.memory_space<vmem_shared>> -> memref<16xf32, #tpu.memory_space<vmem_shared>>
      %dma_wait3A_304 = tpu.memref_slice %arg10[%mul3A_255] : memref<256xf32, #tpu.memory_space<vmem_shared>> -> memref<16xf32, #tpu.memory_space<vmem_shared>>
      tpu.wait_dma2 semaphore(%run_scoped3A : memref<!tpu.dma_semaphore, #tpu.memory_space<semaphore_mem>>) src(%arg7 : memref<16xf32, #tpu.memory_space<vmem>>) dst(%dma_wait3A_304 : memref<16xf32, #tpu.memory_space<vmem_shared>>)
      tpu.yield
    }) : () -> ()
    %barrier3A = arith.constant 0 : index
    tpu.barrier barrier_id(%barrier3A)
    %jit3A_256 = arith.constant 2 : i32
    %div3A_257 = arith.divsi %arg1, %jit3A_256 : i32
    %sign3A_258 = arith.constant 0 : i32
    %sign3A_259 = arith.cmpi sgt, %arg1, %sign3A_258 : i32
    %sign3A_260 = arith.extui %sign3A_259 : i1 to i32
    %sign3A_261 = arith.constant 0 : i32
    %sign3A_262 = arith.cmpi slt, %arg1, %sign3A_261 : i32
    %sign3A_263 = arith.extui %sign3A_262 : i1 to i32
    %sign3A_264 = arith.subi %sign3A_260, %sign3A_263 : i32
    %sign3A_265 = arith.constant 0 : i32
    %sign3A_266 = arith.cmpi sgt, %jit3A_256, %sign3A_265 : i32
    %sign3A_267 = arith.extui %sign3A_266 : i1 to i32
    %sign3A_268 = arith.constant 0 : i32
    %sign3A_269 = arith.cmpi slt, %jit3A_256, %sign3A_268 : i32
    %sign3A_270 = arith.extui %sign3A_269 : i1 to i32
    %sign3A_271 = arith.subi %sign3A_267, %sign3A_270 : i32
    %ne3A_272 = arith.cmpi ne, %sign3A_264, %sign3A_271 : i32
    %rem3A_273 = arith.remsi %arg1, %jit3A_256 : i32
    %ne3A_274 = arith.constant 0 : i32
    %ne3A_275 = arith.cmpi ne, %rem3A_273, %ne3A_274 : i32
    %and3A_276 = arith.andi %ne3A_272, %ne3A_275 : i1
    %sub3A_277 = arith.constant 1 : i32
    %sub3A_278 = arith.subi %div3A_257, %sub3A_277 : i32
    %select_n3A_279 = arith.select %and3A_276, %sub3A_278, %div3A_257 : i32
    %mul3A_280 = arith.constant 2 : i32
    %mul3A_281 = arith.muli %select_n3A_279, %mul3A_280 : i32
    %mul3A_282 = arith.constant 16 : i32
    %mul3A_283 = arith.muli %mul3A_281, %mul3A_282 : i32
    "tpu.region"() ({
      %run_scoped3A = tpu.sem_alloc : memref<!tpu.dma_semaphore, #tpu.memory_space<semaphore_mem>>
      %dma_start3A_301 = tpu.memref_slice %arg10[%mul3A_283] : memref<256xf32, #tpu.memory_space<vmem_shared>> -> memref<32xf32, #tpu.memory_space<vmem_shared>>
      %dma_start3A_302 = tpu.memref_slice %arg10[%mul3A_283] : memref<256xf32, #tpu.memory_space<vmem_shared>> -> memref<32xf32, #tpu.memory_space<vmem_shared>>
      tpu.enqueue_dma source(%dma_start3A_302 : memref<32xf32, #tpu.memory_space<vmem_shared>>) target(%arg8 : memref<32xf32, #tpu.memory_space<vmem>>) target_semaphore(%run_scoped3A : memref<!tpu.dma_semaphore, #tpu.memory_space<semaphore_mem>>)
      %dma_wait3A_303 = tpu.memref_slice %arg10[%mul3A_283] : memref<256xf32, #tpu.memory_space<vmem_shared>> -> memref<32xf32, #tpu.memory_space<vmem_shared>>
      %dma_wait3A_304 = tpu.memref_slice %arg10[%mul3A_283] : memref<256xf32, #tpu.memory_space<vmem_shared>> -> memref<32xf32, #tpu.memory_space<vmem_shared>>
      tpu.wait_dma2 semaphore(%run_scoped3A : memref<!tpu.dma_semaphore, #tpu.memory_space<semaphore_mem>>) src(%dma_wait3A_304 : memref<32xf32, #tpu.memory_space<vmem_shared>>) dst(%arg8 : memref<32xf32, #tpu.memory_space<vmem>>)
      tpu.yield
    }) : () -> ()
    %get3A = arith.constant 0 : index
    %get3A_284 = tpu.vector_load %arg8[%get3A] {strides = array<i32>} : memref<32xf32, #tpu.memory_space<vmem>>, vector<16xf32>,
    %reduce_min3A_285 = arith.constant true
    %reduce_min3A_286 = vector.broadcast %reduce_min3A_285 : i1 to vector<16xi1>
    %reduce_min3A_287 = tpu.scan <min>, %get3A_284 masked %reduce_min3A_286 : vector<16xf32>, vector<16xi1> -> vector<16xf32>
    %reduce_min3A_288 = vector.extract %reduce_min3A_287[15] : f32 from vector<16xf32>
    %get3A_289 = arith.constant 16 : index
    %get3A_290 = tpu.vector_load %arg8[%get3A_289] {strides = array<i32>} : memref<32xf32, #tpu.memory_space<vmem>>, vector<16xf32>,
    %reduce_min3A_291 = arith.constant true
    %reduce_min3A_292 = vector.broadcast %reduce_min3A_291 : i1 to vector<16xi1>
    %reduce_min3A_293 = tpu.scan <min>, %get3A_290 masked %reduce_min3A_292 : vector<16xf32>, vector<16xi1> -> vector<16xf32>
    %reduce_min3A_294 = vector.extract %reduce_min3A_293[15] : f32 from vector<16xf32>
    %min3A = arith.minimumf %reduce_min3A_288, %reduce_min3A_294 : f32
    %eq3A_295 = arith.cmpf oeq, %reduce_min3A_288, %min3A : f32
    %jit3A_296 = arith.constant 0 : i32
    %jit3A_297 = arith.constant 1 : i32
    %select_n3A_298 = arith.select %eq3A_295, %jit3A_296, %jit3A_297 : i32
    %eq3A_299 = arith.cmpi eq, %select_n3A_28, %select_n3A_298 : i32
    %convert_element_type3A = arith.extui %eq3A_299 : i1 to i32
    %cond3A = arith.constant 0 : i32
    %cond3A_300 = arith.cmpi ne, %convert_element_type3A, %cond3A : i32
    scf.if %cond3A_300 {
      %add3A_301 = arith.constant 0 : i32
      %add3A_302 = vector.broadcast %add3A_301 : i32 to vector<16xi32>
      %add3A_303 = arith.addi %iota3A, %add3A_302 : vector<16xi32>
      %mul3A_304 = arith.constant 256 : i32
      %mul3A_305 = vector.broadcast %mul3A_304 : i32 to vector<16xi32>
      %mul3A_306 = arith.muli %add3A_303, %mul3A_305 : vector<16xi32>
      %add3A_307 = vector.broadcast %reduce_min3A_251 : i32 to vector<16xi32>
      %add3A_308 = arith.addi %mul3A_306, %add3A_307 : vector<16xi32>
      %gather3A = tpu.vector_load_idx %arg6[%add3A_308] : memref<16384xf32, #tpu.memory_space<vmem>>[vector<16xi32>], vector<16xf32>,
      %swap3A_309 = arith.constant 0 : index
      %swap3A_310 = tpu.vector_load %arg9[%swap3A_309] {strides = array<i32>} : memref<64xf32, #tpu.memory_space<vmem>>, vector<16xf32>,
      tpu.vector_store %arg9[%swap3A_309], %gather3A {strides = array<i32>} : memref<64xf32, #tpu.memory_space<vmem>>, vector<16xf32>,
      %add3A_311 = arith.constant 16 : i32
      %add3A_312 = vector.broadcast %add3A_311 : i32 to vector<16xi32>
      %add3A_313 = arith.addi %iota3A, %add3A_312 : vector<16xi32>
      %mul3A_314 = arith.constant 256 : i32
      %mul3A_315 = vector.broadcast %mul3A_314 : i32 to vector<16xi32>
      %mul3A_316 = arith.muli %add3A_313, %mul3A_315 : vector<16xi32>
      %add3A_317 = vector.broadcast %reduce_min3A_251 : i32 to vector<16xi32>
      %add3A_318 = arith.addi %mul3A_316, %add3A_317 : vector<16xi32>
      %gather3A_319 = tpu.vector_load_idx %arg6[%add3A_318] : memref<16384xf32, #tpu.memory_space<vmem>>[vector<16xi32>], vector<16xf32>,
      %swap3A_320 = arith.constant 16 : index
      %swap3A_321 = tpu.vector_load %arg9[%swap3A_320] {strides = array<i32>} : memref<64xf32, #tpu.memory_space<vmem>>, vector<16xf32>,
      tpu.vector_store %arg9[%swap3A_320], %gather3A_319 {strides = array<i32>} : memref<64xf32, #tpu.memory_space<vmem>>, vector<16xf32>,
      %add3A_322 = arith.constant 32 : i32
      %add3A_323 = vector.broadcast %add3A_322 : i32 to vector<16xi32>
      %add3A_324 = arith.addi %iota3A, %add3A_323 : vector<16xi32>
      %mul3A_325 = arith.constant 256 : i32
      %mul3A_326 = vector.broadcast %mul3A_325 : i32 to vector<16xi32>
      %mul3A_327 = arith.muli %add3A_324, %mul3A_326 : vector<16xi32>
      %add3A_328 = vector.broadcast %reduce_min3A_251 : i32 to vector<16xi32>
      %add3A_329 = arith.addi %mul3A_327, %add3A_328 : vector<16xi32>
      %gather3A_330 = tpu.vector_load_idx %arg6[%add3A_329] : memref<16384xf32, #tpu.memory_space<vmem>>[vector<16xi32>], vector<16xf32>,
      %swap3A_331 = arith.constant 32 : index
      %swap3A_332 = tpu.vector_load %arg9[%swap3A_331] {strides = array<i32>} : memref<64xf32, #tpu.memory_space<vmem>>, vector<16xf32>,
      tpu.vector_store %arg9[%swap3A_331], %gather3A_330 {strides = array<i32>} : memref<64xf32, #tpu.memory_space<vmem>>, vector<16xf32>,
      %add3A_333 = arith.constant 48 : i32
      %add3A_334 = vector.broadcast %add3A_333 : i32 to vector<16xi32>
      %add3A_335 = arith.addi %iota3A, %add3A_334 : vector<16xi32>
      %mul3A_336 = arith.constant 256 : i32
      %mul3A_337 = vector.broadcast %mul3A_336 : i32 to vector<16xi32>
      %mul3A_338 = arith.muli %add3A_335, %mul3A_337 : vector<16xi32>
      %add3A_339 = vector.broadcast %reduce_min3A_251 : i32 to vector<16xi32>
      %add3A_340 = arith.addi %mul3A_338, %add3A_339 : vector<16xi32>
      %gather3A_341 = tpu.vector_load_idx %arg6[%add3A_340] : memref<16384xf32, #tpu.memory_space<vmem>>[vector<16xi32>], vector<16xf32>,
      %swap3A_342 = arith.constant 48 : index
      %swap3A_343 = tpu.vector_load %arg9[%swap3A_342] {strides = array<i32>} : memref<64xf32, #tpu.memory_space<vmem>>, vector<16xf32>,
      tpu.vector_store %arg9[%swap3A_342], %gather3A_341 {strides = array<i32>} : memref<64xf32, #tpu.memory_space<vmem>>, vector<16xf32>,
      %mul3A_344 = arith.constant 64 : i32
      %mul3A_345 = arith.muli %select_n3A, %mul3A_344 : i32
      "tpu.region"() ({
        %run_scoped3A = tpu.sem_alloc : memref<!tpu.dma_semaphore, #tpu.memory_space<semaphore_mem>>
        %dma_start3A_346 = tpu.memref_slice %arg4[%mul3A_345] : memref<512xf32, #tpu.memory_space<hbm>> -> memref<64xf32, #tpu.memory_space<hbm>>
        %dma_start3A_347 = tpu.memref_slice %arg4[%mul3A_345] : memref<512xf32, #tpu.memory_space<hbm>> -> memref<64xf32, #tpu.memory_space<hbm>>
        tpu.enqueue_dma source(%arg9 : memref<64xf32, #tpu.memory_space<vmem>>) target(%dma_start3A_347 : memref<64xf32, #tpu.memory_space<hbm>>) target_semaphore(%run_scoped3A : memref<!tpu.dma_semaphore, #tpu.memory_space<semaphore_mem>>)
        %dma_wait3A_348 = tpu.memref_slice %arg4[%mul3A_345] : memref<512xf32, #tpu.memory_space<hbm>> -> memref<64xf32, #tpu.memory_space<hbm>>
        %dma_wait3A_349 = tpu.memref_slice %arg4[%mul3A_345] : memref<512xf32, #tpu.memory_space<hbm>> -> memref<64xf32, #tpu.memory_space<hbm>>
        tpu.wait_dma2 semaphore(%run_scoped3A : memref<!tpu.dma_semaphore, #tpu.memory_space<semaphore_mem>>) src(%arg9 : memref<64xf32, #tpu.memory_space<vmem>>) dst(%dma_wait3A_349 : memref<64xf32, #tpu.memory_space<hbm>>)
        tpu.yield
      }) : () -> ()
    } else {
    }
    return
  }
}

</mosaic_0001>

<sc_bundles>
// kernel: kernel.3.cloned.1.call-start
scs
__scs_entry_jumppad:
0x0: {  	(pc) =	sbr.rel $0x88, $3  }
0x1: {  	(tag) =	ssettag $0x0;
	lr =	simm.s32 $0x1  }
0x2: {  	[smem:$0x3F9F] =	sst lr;
	_ =	strace $0xD0000000  }
0x3: {  	_ = 	snop  }
0x4: {  	_ = 	snop  }
0x5: {  	_ = 	snop  }
0x6: {  	_ = 	snop  }
0x7: {  	_ = 	snop  }
__scs_overlays_trampoline_lowered:
0x8: {  	[smem:$0x3FAE] =	sst s0  }
0x9: {  	[smem:$0x3FAF] =	sst s1  }
0xa: {  	[smem:$0x3FB0] =	sst s2  }
0xb: {  	[smem:$0x3FB1] =	sst s3  }
0xc: {  	[smem:$0x3FB2] =	sst s4  }
0xd: {  	[smem:$0x3FB3] =	sst s5  }
0xe: {  	[smem:$0x3FB4] =	sst s6  }
0xf: {  	[smem:$0x3FB5] =	sst s7  }
0x10: {  	[smem:$0x3FB6] =	sst s8  }
0x11: {  	[smem:$0x3FB7] =	sst s9;
	s0 =	simm.s32 @!p0 $0x0  }
0x12: {  	s1 =	sld [smem:$0x3F9D];
	s0 =	simm.s32 @p0 $0x1  }
0x13: {  	[smem:$0x3FB8] =	sst s0;
	s0 =	simm.s32 @!p1 $0x0  }
0x14: {  	s2 =	sld [smem:$0x3F9C];
	s0 =	simm.s32 @p1 $0x1  }
0x15: {  	[smem:$0x3FB9] =	sst s0;
	s0 =	simm.s32 @!p2 $0x0  }
0x16: {  	s3 =	sld [smem:$0x3FDB];
	s0 =	simm.s32 @p2 $0x1  }
0x17: {  	s4 =	simm.s32 $0x1BF5;
	[smem:$0x3FBB] =	sst s0  }
0x18: {  	s0 =	sld [smem:$0x3F9E];
	_ =	swait.ge [sflag:s4], $0x0  }
0x19: {  	s7 =	sld [smem:$0x3F9F]  }
0x1a: {  	s8 =	sadd.s32 $0xFFFFE003, lr  }
0x1b: {  	s9 =	sadd.s32 $0xFFFFFEF7, lr;
	s5 =	simm.s32 $0xFFFFFFFF;
	p2 =	slt.u32 s8, $0xFFFFF086  }
0x1c: {  	p1 =	slt.u32 s9, $0xF7A;
	s5 =	simm.s32 @!p2 $0x0  }
0x1d: {  	s5 =	simm.s32 @p1 $0x1;
	p0 =	seq.s32 s7, s2  }
0x1e: {  	s7 =	smul.u32 @!p0 $0xF7A, s2;
	p2 =	seq.s32 @!p0 s5, $0x0  }
0x1f: {  	s9 =	smul.u32 $0xF7A, s1;
	s8 =	simm.s32 @!p0 $0x1BF5;
	p2 =	por !p2, p0  }
0x20: {  	[sflag:s8] =	ssyncset.s32 @!p0 $0xFFFFF086;
	s6 =	sadd.s32 @!p0 s3, s7;
	s7 =	simm.s32 @!p0 $0x108  }
0x21: {  	s3 =	sadd.s32 s3, s9;
	s6 =	sadd.s32 @!p0 $0x88, s6;
	s7 =	simm.s32 @p2 $0x1082  }
0x22: {  	[simem:s7], [sflag:s8] =	dma.local @!p0 [hbm:s6], $0xF7A  }
0x23: {  	s9 =	sor.u32 $0xD0000000, s2;
	s6 =	simm.s32 $0x108;
	_ =	swait.ge @!p0 [sflag:s8], $0x0  }
0x24: {  	s3 =	sadd.s32 $0x88, s3;
	s6 =	simm.s32 @!p1 $0x1082;
	[sflag:s4] =	ssyncset.s32 $0xFFFFF086  }
0x25: {  	[simem:s6], [sflag:s4] =	dma.local [hbm:s3], $0xF7A  }
0x26: {  	[smem:$0x3F9F] =	sst s1;
	(tag) =	ssettag s2;
	_ =	strace s9  }
0x27: {  	s1 =	sld [smem:$0x3FAF]  }
0x28: {  	s2 =	sld [smem:$0x3FB0]  }
0x29: {  	s4 =	sld [smem:$0x3FB2]  }
0x2a: {  	p0 =	seq.s32 s5, $0x0;
	s5 =	sld [smem:$0x3FB3]  }
0x2b: {  	s6 =	sld [smem:$0x3FB4]  }
0x2c: {  	s7 =	sld [smem:$0x3FB5]  }
0x2d: {  	s3 =	simm.s32 $0x108;
	s8 =	sld [smem:$0x3FB6]  }
0x2e: {  	s3 =	simm.s32 @!p0 $0x1082;
	s9 =	sld [smem:$0x3FB7]  }
0x2f: {  	lr =	sadd.s32 s0, s3;
	s0 =	sld [smem:$0x3FAE]  }
0x30: {  	s3 =	sld [smem:$0x3FB1]  }
0x31: {  	[smem:$0x3FBA] =	sst s10  }
0x32: {  	s10 =	sld [smem:$0x3FB8];
	_ =	sdelay $0x3  }
0x33: {  	p0 =	seq.s32 s10, $0x1;
	s10 =	sld [smem:$0x3FBA];
	_ =	sdelay $0x3  }
0x34: {  	[smem:$0x3FBA] =	sst s10  }
0x35: {  	s10 =	sld [smem:$0x3FB9];
	_ =	sdelay $0x3  }
0x36: {  	p1 =	seq.s32 s10, $0x1;
	s10 =	sld [smem:$0x3FBA];
	_ =	sdelay $0x3  }
0x37: {  	[smem:$0x3FBA] =	sst s10  }
0x38: {  	s10 =	sld [smem:$0x3FBB]  }
0x39: {  	_ = 	snop;
	(pc) =	sbr.ind lr, $3  }
0x3a: {  	_ = 	snop  }
0x3b: {  	_ = 	snop  }
0x3c: {  	p2 =	seq.s32 s10, $0x1;
	s10 =	sld [smem:$0x3FBA]  }
0x3d: {  	_ =	shalt  }
0x3e: {  	_ =	shalt  }
0x3f: {  	_ =	shalt  }
0x40: {  	_ =	shalt  }
0x41: {  	_ =	shalt  }
0x42: {  	_ =	shalt  }
0x43: {  	_ =	shalt  }
0x44: {  	_ =	shalt  }
0x45: {  	_ =	shalt  }
0x46: {  	_ =	shalt  }
0x47: {  	_ =	shalt  }
0x48: {  	_ =	shalt  }
0x49: {  	_ =	shalt  }
0x4a: {  	_ =	shalt  }
0x4b: {  	_ =	shalt  }
0x4c: {  	_ =	shalt  }
0x4d: {  	_ =	shalt  }
0x4e: {  	_ =	shalt  }
0x4f: {  	_ =	shalt  }
0x50: {  	_ =	shalt  }
0x51: {  	_ =	shalt  }
0x52: {  	_ =	shalt  }
0x53: {  	_ =	shalt  }
0x54: {  	_ =	shalt  }
0x55: {  	_ =	shalt  }
0x56: {  	_ =	shalt  }
0x57: {  	_ =	shalt  }
0x58: {  	_ =	shalt  }
0x59: {  	_ =	shalt  }
0x5a: {  	_ =	shalt  }
0x5b: {  	_ =	shalt  }
0x5c: {  	_ =	shalt  }
0x5d: {  	_ =	shalt  }
0x5e: {  	_ =	shalt  }
0x5f: {  	_ =	shalt  }
0x60: {  	_ =	shalt  }
0x61: {  	_ =	shalt  }
0x62: {  	_ =	shalt  }
0x63: {  	_ =	shalt  }
0x64: {  	_ =	shalt  }
0x65: {  	_ =	shalt  }
0x66: {  	_ =	shalt  }
0x67: {  	_ =	shalt  }
0x68: {  	_ =	shalt  }
0x69: {  	_ =	shalt  }
0x6a: {  	_ =	shalt  }
0x6b: {  	_ =	shalt  }
0x6c: {  	_ =	shalt  }
0x6d: {  	_ =	shalt  }
0x6e: {  	_ =	shalt  }
0x6f: {  	_ =	shalt  }
0x70: {  	_ =	shalt  }
0x71: {  	_ =	shalt  }
0x72: {  	_ =	shalt  }
0x73: {  	_ =	shalt  }
0x74: {  	_ =	shalt  }
0x75: {  	_ =	shalt  }
0x76: {  	_ =	shalt  }
0x77: {  	_ =	shalt  }
0x78: {  	_ =	shalt  }
0x79: {  	_ =	shalt  }
0x7a: {  	_ =	shalt  }
0x7b: {  	_ =	shalt  }
0x7c: {  	_ =	shalt  }
0x7d: {  	_ =	shalt  }
0x7e: {  	_ =	shalt  }
0x7f: {  	_ =	shalt  }
0x80: {  	_ =	shalt  }
0x81: {  	_ =	shalt  }
0x82: {  	_ =	shalt  }
0x83: {  	_ =	shalt  }
0x84: {  	_ =	shalt  }
0x85: {  	_ =	shalt  }
0x86: {  	_ =	shalt  }
0x87: {  	_ =	shalt  }
.Lfunc_end0:
.L_simem_size_0:
called_computation_lowered:
.L_overlay_start_0:
0x88: {  	s0 =	sld [smem:$0x3FD9]  }
0x89: {  	s1 =	sld [smem:$0x3FFE];
	_ =	sdelay $0x3  }
0x8a: {  	s0 =	sadd.s32 s1, s0  }
0x8b: {  	[smem:$0x3FC6] =	sst s0  }
0x8c: {  	_ = 	snop  }
0x8d: {  	s0 =	sld [smem:$0x3FD0];
	(tm) =	ssettm $0x1  }
0x8e: {  	s16 =	sld [smem:$0x3FFB];
	_ =	sdelay $0x3  }
0x8f: {  	_ =	strace s16  }
0x90: {  	s1 =	sld [smem:$0x3FFC];
	_ =	sdelay $0x3  }
0x91: {  	_ =	strace s1  }
0x92: {  	s1 =	sld [smem:$0x3FFD];
	_ =	sdelay $0x3  }
0x93: {  	_ =	strace s1  }
0x94: {  	_ =	strace $0x8FFFFFFF  }
0x95: {  	s17 =	sld [smem:$0x3FDB];
	_ =	sdelay $0x1  }
0x96: {  	s2 =	simm.s32 $_scs_section_size  }
0x97: {  	s3 =	simm.s32 $_size__tile_overlayer_lowered;
	s4 =	simm.s32 $_tile_overlayer_lowered  }
0x98: {  	s20 =	simm.s32 $0x1BFF;
	s19 =	sshll.u32 s4, $0x1;
	s1 =	sadd.s32 s2, s17  }
0x99: {  	s5 =	simm.s32 $0x0;
	s18 =	sshll.u32 s3, $0x1;
	s3 =	sadd.s32 s19, s1  }
0x9a: {  	[timem:s5], [sflag:s20] =	dma.local [hbm:s3], s18  }
0x9b: {  	_ =	swait.ge [sflag:s20], s18  }
0x9c: {  	s2 =	ssub.s32 $0x0, s18;
	[sflag:s20] =	ssyncset.done $0x0  }
0x9d: {  	[sflag:s20] =	ssyncadd.s32 s2;
	_ =	sdelay $0x1  }
0x9e: {  	s21 =	simm.s32 $0x1B8B  }
0x9f: {  	_ =	swait.ge [sflag:s21], $0x1  }
0xa0: {  	[sflag:s21] =	ssyncset.done $0x0  }
0xa1: {  	s23 =	simm.s32 $0x1B8E;
	s22 =	sld [smem:$0x3FFE];
	[sflag:s21] =	ssyncadd.s32 $0xFFFFFFFF  }
0xa2: {  	s24 =	simm.s32 $execute0_lowered;
	[smem:$0x3FD2] =	sst s23  }
0xa3: {  	s3 =	sshll.u32 s24, $0x1;
	_ =	strace $0x80000046;
	[dreg:$0x1] =	wrdreg $0xFFFFFFFF  }
0xa4: {  	s25 =	simm.s32 $_size_execute0_lowered;
	s1 =	sadd.s32 s1, s3;
	[dreg:$0x0] =	wrdreg $0x0  }
0xa5: {  	s3 =	sshll.u32 s25, $0x1;
	[dreg:$0x2] =	wrdreg s1  }
0xa6: {  	[dreg:$0x3] =	wrdreg s3  }
0xa7: {  	[dreg:$0x4] =	wrdreg $0xC0  }
0xa8: {  	_ =	task [dreg:s5], $0x5FFFF  }
0xa9: {  	[dreg:$0x1] =	wrdreg $0xFFFFFFFF  }
0xaa: {  	[dreg:$0x0] =	wrdreg $0x60  }
0xab: {  	[dreg:$0x2] =	wrdreg s0  }
0xac: {  	[dreg:$0x3] =	wrdreg s22  }
0xad: {  	[dreg:$0x4] =	wrdreg $0x42000  }
0xae: {  	[dreg:$0x5] =	wrdreg $0x9  }
0xaf: {  	_ =	task.clear_ibuf [dreg:s5], $0x6FFFF;
	_ =	strace $0x90000046  }
0xb0: {  	s26 =	simm.s32 $0x9;
	_ =	strace $0x80000048  }
0xb1: {  	_ =	swait.ge [sflag:s26], $0x1  }
0xb2: {  	[sflag:s26] =	ssyncadd.s32 $0xFFFFFFFF  }
0xb3: {  	_ =	strace $0x90000048  }
0xb4: {  	_ =	sfence  }
0xb5: {  	s28 =	sld [smem:$0x0];
	_ =	sdelay $0x1  }
0xb6: {  	s29 =	srdreg.scid  }
0xb7: {  	s30 =	sshll.u32 s29, $0xD;
	s31 =	sshrl.u32 s29, $0x2  }
0xb8: {  	s2 =	sand.u32 $0x4000, s30;
	s1 =	sand.u32 $0x1, s29;
	s0 =	sadd.s32 s31, s28  }
0xb9: {  	s1 =	sor.u32 s2, s1;
	s0 =	sshll.u32 s0, $0x11  }
0xba: {  	s0 =	sor.u32 s0, s1  }
0xbb: {  	s0 =	sadd.s32 $0x8F2B, s0  }
0xbc: {  	[sflag:s0] =	ssyncadd.remote.s32 $0x1  }
0xbd: {  	_ =	sfence.sel $0xFFFF  }
0xbe: {  	[dreg:$0x0] =	wrdreg $0xFFFFFFFF;
	(pc) =	sbr.abs _section_cstart, $3  }
0xbf: {  	[dreg:$0x1] =	wrdreg $0xFFFFFFFF  }
0xc0: {  	_ =	task.clear_ibuf [dreg:s5], $0x2FFFF;
	_ =	strace $0x9FFFFFFF  }
0xc1: {  	(tm) =	ssettm $0x7FFFFFFF  }
tec
execute0_lowered:
.L_overlay_start_1:
0x0: {  	(tag) =	ssettag $0x1  }
0x1: {  	s7 =	rddreg [dreg:$0x0]  }
0x2: {  	s3 =	rddreg [dreg:$0x1]  }
0x3: {  	s4 =	rddreg [dreg:$0x2];
	s1 =	stileid.u32  }
0x4: {  	s0 =	rddreg [dreg:$0x3];
	s6 =	simm.s32 $0x0;
	s5 =	sshrl.u32 s1, $0x1  }
0x5: {  	[smem:$0x7FF] =	sst s6;
	s8 =	sshll.u32 s1, $0xB;
	s2 =	sshll.u32 s5, $0x3  }
0x6: {  	_ =	strace $0x80000047;
	s8 =	sand.u32 $0x800, s8;
	s7 =	sadd.s32 s7, s2  }
0x7: {  	[tilespmem:s6], [sflag:$0x1] =	stream.linear.gather [hbm4b:s7+s6], $0x40, $0x38;
	[tilespmem:$0x4210] =	vst v63  }
0x8: {  	s23 =	simm.s32 $0x80;
	s22 =	sadd.s32 s3, s8  }
0x9: {  	[tilespmem:s23], [sflag:$0x2] =	stream.linear.gather [hbm4b:s22+s6], $0x1000, $0x38;
	[tilespmem:$0x4210] =	vst v63  }
0xa: {  	s9 =	simm.s32 $0x1080;
	s24 =	sadd.s32 $0x200, s22  }
0xb: {  	[tilespmem:s9], [sflag:$0x3] =	stream.linear.gather [hbm4b:s24+s6], $0x1000, $0x38;
	[tilespmem:$0x4210] =	vst v63  }
0xc: {  	s26 =	simm.s32 $0x2080;
	s25 =	sadd.s32 $0x400, s22  }
0xd: {  	[tilespmem:s26], [sflag:$0x4] =	stream.linear.gather [hbm4b:s25+s6], $0x1000, $0x38;
	[tilespmem:$0x4210] =	vst v63  }
0xe: {  	s28 =	simm.s32 $0x3080;
	s29 =	simm.s32 $0x1;
	s7 =	sadd.s32 $0x600, s22  }
0xf: {  	[tilespmem:s28], [sflag:$0x5] =	stream.linear.gather [hbm4b:s7+s6], $0x1000, $0x38;
	[tilespmem:$0x4210] =	vst v63  }
0x10: {  	_ =	swait.ge [sflag:s29], $0x40  }
0x11: {  	v0 =	vmov s6;
	[sflag:s29] =	ssyncset.done $0x0  }
0x12: {  	s30 =	simm.s32 $0x2;
	[sflag:s29] =	ssyncadd.s32 $0xFFFFFFC0  }
0x13: {  	_ =	swait.ge [sflag:s30], $0x1000  }
0x14: {  	[sflag:s30] =	ssyncset.done $0x0  }
0x15: {  	[sflag:s30] =	ssyncadd.s32 $0xFFFFF000  }
0x16: {  	s7 =	simm.s32 $0x100;
	v2 =	vld.idx.msk [tilespmem:v0+s6+$0x0], $0xffff  }
0x17: {  	v0 =	vld [tilespmem:s7+$0x70]  }
0x18: {  	v1 =	vld [tilespmem:s7+$0xFFFFFF80]  }
0x19: {  	v3 =	vld [tilespmem:s7+$0xFFFFFF90]  }
0x1a: {  	v4 =	vld [tilespmem:s7+$0xFFFFFFA0]  }
0x1b: {  	v5 =	vld [tilespmem:s7+$0xFFFFFFB0]  }
0x1c: {  	v6 =	vld [tilespmem:s7+$0xFFFFFFC0]  }
0x1d: {  	v12 =	vimm.f32 $0.0e+00;
	v16 =	vimm.f32 $0.0e+00;
	v7 =	vld [tilespmem:s7+$0xFFFFFFD0]  }
0x1e: {  	v15 =	vimm.f32 $0.0e+00;
	v14 =	vimm.f32 $0.0e+00;
	v13 =	vimm.f32 $0.0e+00  }
0x1f: {  	v11 =	vimm.f32 $0.0e+00;
	v10 =	vimm.f32 $0.0e+00;
	v0 =	vsub.f32 v2, v0  }
0x20: {  	v9 =	vimm.f32 $0.0e+00;
	v1 =	vsub.f32 v2, v1;
	v3 =	vsub.f32 v2, v3  }
0x21: {  	s31 =	simm.s32 $0x1;
	v8 =	vimm.f32 $0.0e+00;
	v4 =	vsub.f32 v2, v4;
	v5 =	vsub.f32 v2, v5  }
0x22: {  	v17 =	vmov s31;
	v19 =	vld [tilespmem:s7+$0xFFFFFFE0];
	v26 =	vsub.f32 v2, v6;
	v27 =	vsub.f32 v2, v7  }
0x23: {  	v20 =	vld [tilespmem:s7+$0xFFFFFFF0];
	v7 =	vimm.f32 $0.0e+00;
	v0 =	vmul.f32 v0, v0;
	v1 =	vmul.f32 v1, v1  }
0x24: {  	v18 =	vld [tilespmem:s7+$0x0];
	v6 =	vimm.f32 $0.0e+00;
	v23 =	vmul.f32 v3, v3;
	v24 =	vmul.f32 v4, v4  }
0x25: {  	v21 =	vld [tilespmem:s7+$0x10];
	v25 =	vmul.f32 v5, v5;
	v5 =	vimm.f32 $0.0e+00;
	v4 =	vimm.f32 $0.0e+00  }
0x26: {  	s3 =	sadd.s32 $0x1000, s3;
	s8 =	simm.s32 $0x2;
	v22 =	vld [tilespmem:s7+$0x20];
	v3 =	vimm.f32 $0.0e+00;
	v0 =	vadd.f32 v0, v12;
	v1 =	vadd.f32 v1, v12  }
.LBB2_1:
0x27: {  	p0 =	sne.s32 s8, $0xF;
	v12 =	vadd.f32 v23, v12;
	v23 =	vmul.f32 v26, v26;
	v19 =	vsub.f32 v2, v19;
	v26 =	vld [tilespmem:s7+$0x30]  }
0x28: {  	v16 =	vadd.f32 v24, v16;
	v24 =	vmul.f32 v27, v27;
	v20 =	vsub.f32 v2, v20;
	v27 =	vld [tilespmem:s7+$0x40]  }
0x29: {  	v15 =	vadd.f32 v25, v15;
	v19 =	vmul.f32 v19, v19;
	v18 =	vsub.f32 v2, v18;
	v25 =	vld [tilespmem:s7+$0x50]  }
0x2a: {  	v14 =	vadd.f32 v23, v14;
	v20 =	vmul.f32 v20, v20;
	v21 =	vsub.f32 v2, v21;
	v23 =	vld [tilespmem:s7+$0x60]  }
0x2b: {  	v13 =	vadd.f32 v24, v13;
	s7 =	sadd.s32 $0x100, s7;
	v17 =	vld.idx.msk [tilespmem:v17+s6+$0x0], $0xffff;
	v18 =	vmul.f32 v18, v18;
	v22 =	vsub.f32 v2, v22  }
0x2c: {  	v11 =	vadd.f32 v19, v11;
	v24 =	vld [tilespmem:s7+$0x70];
	v19 =	vmul.f32 v21, v21;
	v21 =	vsub.f32 v2, v26  }
0x2d: {  	v10 =	vadd.f32 v20, v10;
	v26 =	vld [tilespmem:s7+$0xFFFFFF80];
	v20 =	vmul.f32 v22, v22;
	v22 =	vsub.f32 v2, v27  }
0x2e: {  	v9 =	vadd.f32 v18, v9;
	v27 =	vld [tilespmem:s7+$0xFFFFFF90];
	v18 =	vmul.f32 v21, v21;
	v21 =	vsub.f32 v2, v25  }
0x2f: {  	v8 =	vadd.f32 v19, v8;
	v25 =	vld [tilespmem:s7+$0xFFFFFFA0];
	v19 =	vmul.f32 v22, v22;
	v28 =	vsub.f32 v2, v23  }
0x30: {  	v7 =	vadd.f32 v20, v7;
	v22 =	vld [tilespmem:s7+$0xFFFFFFB0];
	v5 =	vadd.f32 v18, v5;
	v18 =	vmul.f32 v21, v21  }
0x31: {  	v2 =	vmovc v17;
	v21 =	vld [tilespmem:s7+$0xFFFFFFC0];
	v20 =	vsub.f32 v17, v24;
	v6 =	vadd.f32 v19, v6;
	v23 =	vmul.f32 v28, v28  }
0x32: {  	v17 =	vsub.f32 v2, v26;
	v28 =	vld [tilespmem:s7+$0xFFFFFFD0];
	v4 =	vadd.f32 v18, v4  }
.Ltmp0:
0x33: {  	v18 =	vsub.f32 v2, v27;
	v19 =	vld [tilespmem:s7+$0xFFFFFFE0];
	v24 =	vmul.f32 v20, v20;
	v3 =	vadd.f32 v23, v3;
	(pc) =	sbr.rel @p0 .LBB2_1-.Ltmp0, $4  }
0x34: {  	v17 =	vmul.f32 v17, v17;
	v25 =	vsub.f32 v2, v25;
	v20 =	vld [tilespmem:s7+$0xFFFFFFF0]  }
0x35: {  	v23 =	vmul.f32 v18, v18;
	v22 =	vsub.f32 v2, v22;
	v18 =	vld [tilespmem:s7+$0x0];
	v0 =	vadd.f32 v24, v0  }
0x36: {  	v1 =	vadd.f32 v17, v1;
	v24 =	vmul.f32 v25, v25;
	v26 =	vsub.f32 v2, v21;
	v21 =	vld [tilespmem:s7+$0x10]  }
0x37: {  	v17 =	vmov s8;
	s8 =	sadd.s32 $0x1, s8;
	v25 =	vmul.f32 v22, v22;
	v27 =	vsub.f32 v2, v28;
	v22 =	vld [tilespmem:s7+$0x20]  }
0x38: {  	v28 =	vld [tilespmem:s7+$0x30]  }
0x39: {  	v29 =	vld [tilespmem:s7+$0x40]  }
0x3a: {  	v30 =	vld [tilespmem:s7+$0x50];
	v12 =	vadd.f32 v23, v12;
	v19 =	vsub.f32 v2, v19  }
0x3b: {  	v23 =	vld [tilespmem:s7+$0x60];
	v26 =	vmul.f32 v26, v26;
	v16 =	vadd.f32 v24, v16;
	v20 =	vsub.f32 v2, v20  }
0x3c: {  	v17 =	vld.idx.msk [tilespmem:v17+s6+$0x0], $0xffff;
	s29 =	sadd.s32 $0x100, s7;
	v24 =	vmul.f32 v27, v27;
	v15 =	vadd.f32 v25, v15;
	v18 =	vsub.f32 v2, v18  }
0x3d: {  	v25 =	vld [tilespmem:s29+$0x70];
	v19 =	vmul.f32 v19, v19;
	v14 =	vadd.f32 v26, v14;
	v21 =	vsub.f32 v2, v21  }
0x3e: {  	v31 =	vld [tilespmem:s29+$0x40];
	v20 =	vmul.f32 v20, v20;
	v13 =	vadd.f32 v24, v13;
	v22 =	vsub.f32 v2, v22  }
0x3f: {  	v26 =	vld [tilespmem:s29+$0xFFFFFF80];
	v11 =	vadd.f32 v19, v11;
	v27 =	vsub.f32 v2, v28  }
0x40: {  	v24 =	vld [tilespmem:s29+$0xFFFFFF90];
	v18 =	vmul.f32 v18, v18;
	v10 =	vadd.f32 v20, v10;
	v28 =	vsub.f32 v2, v29  }
0x41: {  	v19 =	vld [tilespmem:s29+$0xFFFFFFA0];
	v21 =	vmul.f32 v21, v21;
	v29 =	vsub.f32 v2, v30;
	v2 =	vsub.f32 v2, v23  }
0x42: {  	v20 =	vld [tilespmem:s29+$0xFFFFFFB0];
	v22 =	vmul.f32 v22, v22;
	v9 =	vadd.f32 v18, v9;
	v27 =	vmul.f32 v27, v27  }
0x43: {  	v25 =	vsub.f32 v17, v25;
	v21 =	vadd.f32 v21, v8;
	v8 =	vld [tilespmem:s29+$0xFFFFFFD0];
	v28 =	vmul.f32 v28, v28  }
0x44: {  	v18 =	vld [tilespmem:s29+$0xFFFFFFC0];
	v22 =	vadd.f32 v22, v7;
	v23 =	vadd.f32 v27, v5;
	v5 =	vmul.f32 v29, v29  }
0x45: {  	v2 =	vmul.f32 v2, v2;
	v7 =	vld [tilespmem:s29+$0xFFFFFFE0];
	v28 =	vadd.f32 v28, v6;
	v6 =	vsub.f32 v17, v26  }
0x46: {  	v27 =	vld [tilespmem:s29+$0xFFFFFFF0];
	v29 =	vadd.f32 v5, v4;
	v4 =	vsub.f32 v17, v24;
	v24 =	vmul.f32 v25, v25  }
0x47: {  	s30 =	simm.s32 $0x10;
	v26 =	vld [tilespmem:s29+$0x0];
	v25 =	vadd.f32 v2, v3;
	v2 =	vmul.f32 v6, v6;
	v3 =	vsub.f32 v17, v19  }
0x48: {  	v32 =	vmov s30;
	v5 =	vld [tilespmem:s29+$0x10];
	v19 =	vsub.f32 v17, v20;
	v8 =	vsub.f32 v17, v8  }
0x49: {  	v6 =	vld [tilespmem:s29+$0x20];
	v4 =	vmul.f32 v4, v4;
	v24 =	vadd.f32 v24, v0;
	v63 =	vadd.f32 v2, v1  }
0x4a: {  	v20 =	vld [tilespmem:s29+$0x30];
	v0 =	vmul.f32 v3, v3;
	v1 =	vsub.f32 v17, v18;
	v2 =	vmul.f32 v19, v19  }
0x4b: {  	s31 =	simm.s32 $0x3;
	v18 =	vld [tilespmem:s29+$0x50];
	v7 =	vsub.f32 v17, v7;
	v8 =	vmul.f32 v8, v8;
	v4 =	vadd.f32 v4, v12  }
0x4c: {  	v12 =	vld [tilespmem:s29+$0x60];
	v3 =	vadd.f32 v0, v16;
	v0 =	vmul.f32 v1, v1;
	_ =	swait.ge [sflag:s31], $0x1000;
	v1 =	vadd.f32 v2, v15  }
0x4d: {  	v15 =	vsub.f32 v17, v27;
	[sflag:s31] =	ssyncset.done $0x0;
	v16 =	vsub.f32 v17, v5  }
0x4e: {  	s6 =	simm.s32 $0x0;
	v7 =	vmul.f32 v7, v7;
	v5 =	vadd.f32 v8, v13;
	v13 =	vsub.f32 v17, v6;
	[sflag:s31] =	ssyncadd.s32 $0xFFFFF000  }
0x4f: {  	s7 =	simm.s32 $0x1170;
	v2 =	vadd.f32 v0, v14;
	v14 =	vsub.f32 v17, v26;
	v15 =	vmul.f32 v15, v15;
	v0 =	vld.idx.msk [tilespmem:v32+s6+$0x0], $0xffff  }
0x50: {  	v6 =	vadd.f32 v7, v11;
	v11 =	vmul.f32 v16, v16;
	v16 =	vsub.f32 v17, v20;
	v20 =	vld [tilespmem:s7+$0xFFFFFF30]  }
0x51: {  	v8 =	vmul.f32 v14, v14;
	v14 =	vld [tilespmem:s7+$0x0]  }
0x52: {  	v7 =	vadd.f32 v15, v10;
	v15 =	vld [tilespmem:s7+$0xFFFFFF10];
	v10 =	vmul.f32 v13, v13;
	v13 =	vsub.f32 v17, v31  }
0x53: {  	v19 =	vld [tilespmem:s7+$0xFFFFFF20];
	v18 =	vsub.f32 v17, v18;
	v16 =	vmul.f32 v16, v16;
	v17 =	vsub.f32 v17, v12  }
0x54: {  	v27 =	vld [tilespmem:s7+$0xFFFFFF60];
	v8 =	vadd.f32 v8, v9;
	v9 =	vadd.f32 v11, v21;
	v13 =	vmul.f32 v13, v13  }
0x55: {  	v10 =	vadd.f32 v10, v22;
	v21 =	vld [tilespmem:s7+$0xFFFFFF40];
	v11 =	vadd.f32 v16, v23  }
0x56: {  	v22 =	vld [tilespmem:s7+$0xFFFFFF50];
	v16 =	vmul.f32 v18, v18;
	v12 =	vadd.f32 v13, v28;
	v20 =	vsub.f32 v0, v20  }
0x57: {  	v17 =	vmul.f32 v17, v17;
	v14 =	vsub.f32 v0, v14;
	v15 =	vsub.f32 v0, v15  }
0x58: {  	v18 =	vld [tilespmem:s7+$0xFFFFFF70];
	v13 =	vadd.f32 v16, v29;
	v16 =	vsub.f32 v0, v19  }
0x59: {  	v27 =	vsub.f32 v0, v27;
	v19 =	vld [tilespmem:s7+$0xFFFFFF80];
	v26 =	vmul.f32 v14, v14;
	v14 =	vadd.f32 v17, v25  }
0x5a: {  	v25 =	vmul.f32 v15, v15;
	v23 =	vmul.f32 v16, v16;
	v21 =	vsub.f32 v0, v21;
	v17 =	vld [tilespmem:s7+$0xFFFFFF90]  }
0x5b: {  	s8 =	simm.s32 $0x11;
	v15 =	vadd.f32 v26, v24;
	v24 =	vmul.f32 v20, v20;
	v26 =	vsub.f32 v0, v22;
	v20 =	vld [tilespmem:s7+$0xFFFFFFA0]  }
0x5c: {  	v16 =	vadd.f32 v25, v63;
	v22 =	vmov s8;
	s8 =	simm.s32 $0x12;
	v25 =	vmul.f32 v21, v21;
	v21 =	vld [tilespmem:s7+$0xFFFFFFB0]  }
.LBB2_3:
0x5d: {  	p0 =	sne.s32 s8, $0x1F;
	v4 =	vadd.f32 v23, v4;
	v23 =	vmul.f32 v26, v26;
	v18 =	vsub.f32 v0, v18;
	v26 =	vld [tilespmem:s7+$0xFFFFFFC0]  }
0x5e: {  	v3 =	vadd.f32 v24, v3;
	v24 =	vmul.f32 v27, v27;
	v19 =	vsub.f32 v0, v19;
	v27 =	vld [tilespmem:s7+$0xFFFFFFD0]  }
0x5f: {  	v1 =	vadd.f32 v25, v1;
	v18 =	vmul.f32 v18, v18;
	v17 =	vsub.f32 v0, v17;
	v25 =	vld [tilespmem:s7+$0xFFFFFFE0]  }
0x60: {  	v2 =	vadd.f32 v23, v2;
	v19 =	vmul.f32 v19, v19;
	v20 =	vsub.f32 v0, v20;
	v23 =	vld [tilespmem:s7+$0xFFFFFFF0]  }
0x61: {  	v5 =	vadd.f32 v24, v5;
	s7 =	sadd.s32 $0x100, s7;
	v22 =	vld.idx.msk [tilespmem:v22+s6+$0x0], $0xffff;
	v17 =	vmul.f32 v17, v17;
	v21 =	vsub.f32 v0, v21  }
0x62: {  	v6 =	vadd.f32 v18, v6;
	v24 =	vld [tilespmem:s7+$0x0];
	v18 =	vmul.f32 v20, v20;
	v20 =	vsub.f32 v0, v26  }
0x63: {  	v7 =	vadd.f32 v19, v7;
	v26 =	vld [tilespmem:s7+$0xFFFFFF10];
	v19 =	vmul.f32 v21, v21;
	v21 =	vsub.f32 v0, v27  }
0x64: {  	v8 =	vadd.f32 v17, v8;
	v27 =	vld [tilespmem:s7+$0xFFFFFF20];
	v17 =	vmul.f32 v20, v20;
	v20 =	vsub.f32 v0, v25  }
0x65: {  	v9 =	vadd.f32 v18, v9;
	v25 =	vld [tilespmem:s7+$0xFFFFFF30];
	v18 =	vmul.f32 v21, v21;
	v28 =	vsub.f32 v0, v23  }
0x66: {  	v10 =	vadd.f32 v19, v10;
	v21 =	vld [tilespmem:s7+$0xFFFFFF40];
	v11 =	vadd.f32 v17, v11;
	v17 =	vmul.f32 v20, v20  }
0x67: {  	v0 =	vmovc v22;
	v20 =	vld [tilespmem:s7+$0xFFFFFF50];
	v19 =	vsub.f32 v22, v24;
	v12 =	vadd.f32 v18, v12;
	v23 =	vmul.f32 v28, v28  }
0x68: {  	v22 =	vsub.f32 v0, v26;
	v28 =	vld [tilespmem:s7+$0xFFFFFF60];
	v13 =	vadd.f32 v17, v13  }
.Ltmp1:
0x69: {  	v17 =	vsub.f32 v0, v27;
	v18 =	vld [tilespmem:s7+$0xFFFFFF70];
	v24 =	vmul.f32 v19, v19;
	v14 =	vadd.f32 v23, v14;
	(pc) =	sbr.rel @p0 .LBB2_3-.Ltmp1, $4  }
0x6a: {  	v22 =	vmul.f32 v22, v22;
	v25 =	vsub.f32 v0, v25;
	v19 =	vld [tilespmem:s7+$0xFFFFFF80]  }
0x6b: {  	v23 =	vmul.f32 v17, v17;
	v21 =	vsub.f32 v0, v21;
	v17 =	vld [tilespmem:s7+$0xFFFFFF90];
	v15 =	vadd.f32 v24, v15  }
0x6c: {  	v16 =	vadd.f32 v22, v16;
	v24 =	vmul.f32 v25, v25;
	v26 =	vsub.f32 v0, v20;
	v20 =	vld [tilespmem:s7+$0xFFFFFFA0]  }
0x6d: {  	v22 =	vmov s8;
	s8 =	sadd.s32 $0x1, s8;
	v25 =	vmul.f32 v21, v21;
	v27 =	vsub.f32 v0, v28;
	v21 =	vld [tilespmem:s7+$0xFFFFFFB0]  }
0x6e: {  	v28 =	vld [tilespmem:s7+$0xFFFFFFC0]  }
0x6f: {  	v29 =	vld [tilespmem:s7+$0xFFFFFFD0]  }
0x70: {  	v30 =	vld [tilespmem:s7+$0xFFFFFFE0];
	v4 =	vadd.f32 v23, v4;
	v18 =	vsub.f32 v0, v18  }
0x71: {  	v23 =	vld [tilespmem:s7+$0xFFFFFFF0];
	v26 =	vmul.f32 v26, v26;
	v3 =	vadd.f32 v24, v3;
	v19 =	vsub.f32 v0, v19  }
0x72: {  	v22 =	vld.idx.msk [tilespmem:v22+s6+$0x0], $0xffff;
	s29 =	sadd.s32 $0x100, s7;
	v24 =	vmul.f32 v27, v27;
	v1 =	vadd.f32 v25, v1;
	v17 =	vsub.f32 v0, v17  }
0x73: {  	v25 =	vld [tilespmem:s29+$0x0];
	v18 =	vmul.f32 v18, v18;
	v2 =	vadd.f32 v26, v2;
	v20 =	vsub.f32 v0, v20  }
0x74: {  	v26 =	vld [tilespmem:s29+$0xFFFFFF10];
	v19 =	vmul.f32 v19, v19;
	v5 =	vadd.f32 v24, v5;
	v21 =	vsub.f32 v0, v21  }
0x75: {  	v24 =	vld [tilespmem:s29+$0xFFFFFF20];
	v6 =	vadd.f32 v18, v6;
	v27 =	vsub.f32 v0, v28  }
0x76: {  	v17 =	vmul.f32 v17, v17;
	v18 =	vld [tilespmem:s29+$0xFFFFFF30];
	v7 =	vadd.f32 v19, v7;
	v28 =	vsub.f32 v0, v29  }
0x77: {  	v20 =	vmul.f32 v20, v20;
	v19 =	vld [tilespmem:s29+$0xFFFFFF40];
	v29 =	vsub.f32 v0, v30;
	v0 =	vsub.f32 v0, v23  }
0x78: {  	v21 =	vmul.f32 v21, v21;
	v8 =	vadd.f32 v17, v8;
	v17 =	vld [tilespmem:s29+$0xFFFFFF50];
	v25 =	vsub.f32 v22, v25  }
0x79: {  	v27 =	vmul.f32 v27, v27;
	v9 =	vadd.f32 v20, v9;
	v20 =	vld [tilespmem:s29+$0xFFFFFF60];
	v28 =	vmul.f32 v28, v28  }
0x7a: {  	v23 =	vmul.f32 v29, v29;
	v26 =	vsub.f32 v22, v26;
	v29 =	vld [tilespmem:s29+$0xFFFFFFC0];
	v10 =	vadd.f32 v21, v10  }
0x7b: {  	v0 =	vmul.f32 v0, v0;
	v21 =	vld [tilespmem:s29+$0xFFFFFF70];
	v11 =	vadd.f32 v27, v11;
	v12 =	vadd.f32 v28, v12  }
0x7c: {  	v25 =	vmul.f32 v25, v25;
	v27 =	vld [tilespmem:s29+$0xFFFFFF80];
	v13 =	vadd.f32 v23, v13;
	v23 =	vsub.f32 v22, v24  }
0x7d: {  	s30 =	simm.s32 $0x20;
	v28 =	vld [tilespmem:s29+$0xFFFFFF90];
	v14 =	vadd.f32 v0, v14;
	v0 =	vmul.f32 v26, v26;
	v18 =	vsub.f32 v22, v18  }
0x7e: {  	v63 =	vmov s30;
	v24 =	vld [tilespmem:s29+$0xFFFFFFA0];
	v19 =	vsub.f32 v22, v19;
	v15 =	vadd.f32 v25, v15  }
0x7f: {  	v26 =	vld [tilespmem:s29+$0xFFFFFFB0];
	v23 =	vmul.f32 v23, v23;
	v16 =	vadd.f32 v0, v16;
	v0 =	vmul.f32 v18, v18  }
0x80: {  	v25 =	vld [tilespmem:s29+$0xFFFFFFD0];
	v17 =	vsub.f32 v22, v17;
	v19 =	vmul.f32 v19, v19;
	v20 =	vsub.f32 v22, v20  }
0x81: {  	s31 =	simm.s32 $0x4;
	v18 =	vld [tilespmem:s29+$0xFFFFFFE0];
	v4 =	vadd.f32 v23, v4;
	v3 =	vadd.f32 v0, v3  }
0x82: {  	v23 =	vld [tilespmem:s29+$0xFFFFFFF0];
	v0 =	vmul.f32 v17, v17;
	v17 =	vsub.f32 v22, v21;
	_ =	swait.ge [sflag:s31], $0x1000;
	v1 =	vadd.f32 v19, v1  }
0x83: {  	v19 =	vmul.f32 v20, v20;
	v20 =	vsub.f32 v22, v27;
	[sflag:s31] =	ssyncset.done $0x0;
	v21 =	vsub.f32 v22, v28  }
0x84: {  	s6 =	simm.s32 $0x0;
	v24 =	vsub.f32 v22, v24;
	v2 =	vadd.f32 v0, v2;
	[sflag:s31] =	ssyncadd.s32 $0xFFFFF000  }
0x85: {  	s7 =	simm.s32 $0x2170;
	v17 =	vmul.f32 v17, v17;
	v25 =	vsub.f32 v22, v25;
	v20 =	vmul.f32 v20, v20;
	v0 =	vld.idx.msk [tilespmem:v63+s6+$0x0], $0xffff  }
0x86: {  	v5 =	vadd.f32 v19, v5;
	v19 =	vmul.f32 v21, v21;
	v21 =	vsub.f32 v22, v26;
	v27 =	vld [tilespmem:s7+$0xFFFFFF60]  }
0x87: {  	v24 =	vmul.f32 v24, v24;
	v26 =	vsub.f32 v22, v29;
	v6 =	vadd.f32 v17, v6;
	v17 =	vld [tilespmem:s7+$0x0]  }
0x88: {  	v18 =	vsub.f32 v22, v18;
	v25 =	vmul.f32 v25, v25;
	v7 =	vadd.f32 v20, v7;
	v20 =	vld [tilespmem:s7+$0xFFFFFF10]  }
0x89: {  	v21 =	vmul.f32 v21, v21;
	v8 =	vadd.f32 v19, v8;
	v19 =	vld [tilespmem:s7+$0xFFFFFF20];
	v26 =	vmul.f32 v26, v26  }
0x8a: {  	v9 =	vadd.f32 v24, v9;
	v24 =	vld [tilespmem:s7+$0xFFFFFF30];
	v22 =	vsub.f32 v22, v23;
	v18 =	vmul.f32 v18, v18  }
0x8b: {  	v12 =	vadd.f32 v25, v12;
	v10 =	vadd.f32 v21, v10;
	v21 =	vld [tilespmem:s7+$0xFFFFFF40]  }
0x8c: {  	v11 =	vadd.f32 v26, v11;
	v26 =	vld [tilespmem:s7+$0xFFFFFF50];
	v13 =	vadd.f32 v18, v13  }
0x8d: {  	v22 =	vmul.f32 v22, v22;
	v27 =	vsub.f32 v0, v27;
	v20 =	vsub.f32 v0, v20  }
0x8e: {  	v18 =	vld [tilespmem:s7+$0xFFFFFF70];
	v17 =	vsub.f32 v0, v17;
	v23 =	vsub.f32 v0, v19  }
0x8f: {  	v14 =	vadd.f32 v22, v14;
	v22 =	vsub.f32 v0, v24;
	v19 =	vld [tilespmem:s7+$0xFFFFFF80];
	v20 =	vmul.f32 v20, v20  }
0x90: {  	v25 =	vmul.f32 v17, v17;
	v17 =	vld [tilespmem:s7+$0xFFFFFF90];
	v23 =	vmul.f32 v23, v23;
	v21 =	vsub.f32 v0, v21  }
0x91: {  	s8 =	simm.s32 $0x21;
	v24 =	vmul.f32 v22, v22;
	v26 =	vsub.f32 v0, v26;
	v16 =	vadd.f32 v20, v16;
	v20 =	vld [tilespmem:s7+$0xFFFFFFA0]  }
0x92: {  	v22 =	vmov s8;
	s8 =	simm.s32 $0x22;
	v15 =	vadd.f32 v25, v15;
	v25 =	vmul.f32 v21, v21;
	v21 =	vld [tilespmem:s7+$0xFFFFFFB0]  }
.LBB2_5:
0x93: {  	p0 =	sne.s32 s8, $0x2F;
	v4 =	vadd.f32 v23, v4;
	v23 =	vmul.f32 v26, v26;
	v18 =	vsub.f32 v0, v18;
	v26 =	vld [tilespmem:s7+$0xFFFFFFC0]  }
0x94: {  	v3 =	vadd.f32 v24, v3;
	v24 =	vmul.f32 v27, v27;
	v19 =	vsub.f32 v0, v19;
	v27 =	vld [tilespmem:s7+$0xFFFFFFD0]  }
0x95: {  	v1 =	vadd.f32 v25, v1;
	v18 =	vmul.f32 v18, v18;
	v17 =	vsub.f32 v0, v17;
	v25 =	vld [tilespmem:s7+$0xFFFFFFE0]  }
0x96: {  	v2 =	vadd.f32 v23, v2;
	v19 =	vmul.f32 v19, v19;
	v20 =	vsub.f32 v0, v20;
	v23 =	vld [tilespmem:s7+$0xFFFFFFF0]  }
0x97: {  	v5 =	vadd.f32 v24, v5;
	s7 =	sadd.s32 $0x100, s7;
	v22 =	vld.idx.msk [tilespmem:v22+s6+$0x0], $0xffff;
	v17 =	vmul.f32 v17, v17;
	v21 =	vsub.f32 v0, v21  }
0x98: {  	v6 =	vadd.f32 v18, v6;
	v24 =	vld [tilespmem:s7+$0x0];
	v18 =	vmul.f32 v20, v20;
	v20 =	vsub.f32 v0, v26  }
0x99: {  	v7 =	vadd.f32 v19, v7;
	v26 =	vld [tilespmem:s7+$0xFFFFFF10];
	v19 =	vmul.f32 v21, v21;
	v21 =	vsub.f32 v0, v27  }
0x9a: {  	v8 =	vadd.f32 v17, v8;
	v27 =	vld [tilespmem:s7+$0xFFFFFF20];
	v17 =	vmul.f32 v20, v20;
	v20 =	vsub.f32 v0, v25  }
0x9b: {  	v9 =	vadd.f32 v18, v9;
	v25 =	vld [tilespmem:s7+$0xFFFFFF30];
	v18 =	vmul.f32 v21, v21;
	v28 =	vsub.f32 v0, v23  }
0x9c: {  	v10 =	vadd.f32 v19, v10;
	v21 =	vld [tilespmem:s7+$0xFFFFFF40];
	v11 =	vadd.f32 v17, v11;
	v17 =	vmul.f32 v20, v20  }
0x9d: {  	v0 =	vmovc v22;
	v20 =	vld [tilespmem:s7+$0xFFFFFF50];
	v19 =	vsub.f32 v22, v24;
	v12 =	vadd.f32 v18, v12;
	v23 =	vmul.f32 v28, v28  }
0x9e: {  	v22 =	vsub.f32 v0, v26;
	v28 =	vld [tilespmem:s7+$0xFFFFFF60];
	v13 =	vadd.f32 v17, v13  }
.Ltmp2:
0x9f: {  	v17 =	vsub.f32 v0, v27;
	v18 =	vld [tilespmem:s7+$0xFFFFFF70];
	v24 =	vmul.f32 v19, v19;
	v14 =	vadd.f32 v23, v14;
	(pc) =	sbr.rel @p0 .LBB2_5-.Ltmp2, $4  }
0xa0: {  	v22 =	vmul.f32 v22, v22;
	v25 =	vsub.f32 v0, v25;
	v19 =	vld [tilespmem:s7+$0xFFFFFF80]  }
0xa1: {  	v23 =	vmul.f32 v17, v17;
	v21 =	vsub.f32 v0, v21;
	v17 =	vld [tilespmem:s7+$0xFFFFFF90];
	v15 =	vadd.f32 v24, v15  }
0xa2: {  	v16 =	vadd.f32 v22, v16;
	v24 =	vmul.f32 v25, v25;
	v26 =	vsub.f32 v0, v20;
	v20 =	vld [tilespmem:s7+$0xFFFFFFA0]  }
0xa3: {  	v22 =	vmov s8;
	s8 =	sadd.s32 $0x1, s8;
	v25 =	vmul.f32 v21, v21;
	v27 =	vsub.f32 v0, v28;
	v21 =	vld [tilespmem:s7+$0xFFFFFFB0]  }
0xa4: {  	v28 =	vld [tilespmem:s7+$0xFFFFFFC0]  }
0xa5: {  	v29 =	vld [tilespmem:s7+$0xFFFFFFD0]  }
0xa6: {  	v30 =	vld [tilespmem:s7+$0xFFFFFFE0];
	v4 =	vadd.f32 v23, v4  }
0xa7: {  	v23 =	vld [tilespmem:s7+$0xFFFFFFF0];
	v26 =	vmul.f32 v26, v26;
	v18 =	vsub.f32 v0, v18;
	v3 =	vadd.f32 v24, v3  }
0xa8: {  	v22 =	vld.idx.msk [tilespmem:v22+s6+$0x0], $0xffff;
	s29 =	sadd.s32 $0x100, s7;
	v24 =	vmul.f32 v27, v27;
	v19 =	vsub.f32 v0, v19;
	v1 =	vadd.f32 v25, v1  }
0xa9: {  	v25 =	vld [tilespmem:s29+$0x0];
	v18 =	vmul.f32 v18, v18;
	v17 =	vsub.f32 v0, v17;
	v2 =	vadd.f32 v26, v2  }
0xaa: {  	v63 =	vld [tilespmem:s29+$0xFFFFFFE0];
	v19 =	vmul.f32 v19, v19;
	v20 =	vsub.f32 v0, v20;
	v5 =	vadd.f32 v24, v5  }
0xab: {  	v26 =	vld [tilespmem:s29+$0xFFFFFF10];
	v21 =	vsub.f32 v0, v21;
	v18 =	vadd.f32 v18, v6  }
0xac: {  	v24 =	vld [tilespmem:s29+$0xFFFFFF20];
	v17 =	vmul.f32 v17, v17;
	v27 =	vsub.f32 v0, v28;
	v19 =	vadd.f32 v19, v7  }
0xad: {  	v6 =	vld [tilespmem:s29+$0xFFFFFF30];
	v20 =	vmul.f32 v20, v20;
	v28 =	vsub.f32 v0, v29;
	v29 =	vsub.f32 v0, v30  }
0xae: {  	v7 =	vld [tilespmem:s29+$0xFFFFFF40];
	v0 =	vsub.f32 v0, v23;
	v21 =	vmul.f32 v21, v21;
	v17 =	vadd.f32 v17, v8  }
0xaf: {  	v8 =	vld [tilespmem:s29+$0xFFFFFF50];
	v25 =	vsub.f32 v22, v25;
	v27 =	vmul.f32 v27, v27;
	v28 =	vmul.f32 v28, v28  }
0xb0: {  	v20 =	vadd.f32 v20, v9;
	v9 =	vld [tilespmem:s29+$0xFFFFFF60];
	v0 =	vmul.f32 v0, v0;
	v21 =	vadd.f32 v21, v10  }
0xb1: {  	v10 =	vld [tilespmem:s29+$0xFFFFFF70];
	v23 =	vadd.f32 v27, v11;
	v28 =	vadd.f32 v28, v12  }
0xb2: {  	s30 =	simm.s32 $0x30;
	v11 =	vmul.f32 v29, v29;
	v27 =	vld [tilespmem:s29+$0xFFFFFF80];
	v12 =	vsub.f32 v22, v26;
	v0 =	vadd.f32 v0, v14  }
0xb3: {  	v31 =	vmov s30;
	v26 =	vld [tilespmem:s29+$0xFFFFFF90];
	v6 =	vsub.f32 v22, v6;
	v7 =	vsub.f32 v22, v7  }
0xb4: {  	v14 =	vld [tilespmem:s29+$0xFFFFFFB0];
	v29 =	vadd.f32 v11, v13;
	v11 =	vsub.f32 v22, v24;
	v12 =	vmul.f32 v12, v12  }
0xb5: {  	v13 =	vld [tilespmem:s29+$0xFFFFFFA0];
	v24 =	vmul.f32 v25, v25;
	v6 =	vmul.f32 v6, v6;
	v33 =	vsub.f32 v22, v9  }
0xb6: {  	v25 =	vld [tilespmem:s29+$0xFFFFFFC0];
	v11 =	vmul.f32 v11, v11;
	v16 =	vadd.f32 v12, v16;
	v12 =	vsub.f32 v22, v8  }
0xb7: {  	s31 =	simm.s32 $0x5;
	v32 =	vmul.f32 v7, v7;
	v24 =	vadd.f32 v24, v15;
	v15 =	vld [tilespmem:s29+$0xFFFFFFD0];
	v7 =	vadd.f32 v6, v3  }
0xb8: {  	v6 =	vsub.f32 v22, v10;
	v8 =	vadd.f32 v11, v4;
	v4 =	vld [tilespmem:s29+$0xFFFFFFF0];
	v3 =	vmul.f32 v12, v12;
	_ =	swait.ge [sflag:s31], $0x1000  }
0xb9: {  	v9 =	vadd.f32 v32, v1;
	v1 =	vmul.f32 v33, v33;
	v11 =	vsub.f32 v22, v27;
	[sflag:s31] =	ssyncset.done $0x0  }
0xba: {  	s7 =	simm.s32 $0x0;
	v10 =	vadd.f32 v3, v2;
	v2 =	vmul.f32 v6, v6;
	v3 =	vsub.f32 v22, v26;
	[sflag:s31] =	ssyncadd.s32 $0xFFFFF000  }
0xbb: {  	s6 =	simm.s32 $0x3170;
	v13 =	vsub.f32 v22, v13;
	v26 =	vmul.f32 v11, v11;
	v11 =	vadd.f32 v1, v5;
	v6 =	vld.idx.msk [tilespmem:v31+s7+$0x0], $0xffff  }
0xbc: {  	v1 =	vmul.f32 v3, v3;
	v3 =	vsub.f32 v22, v14;
	v12 =	vadd.f32 v2, v18;
	v2 =	vld [tilespmem:s6+$0x0]  }
0xbd: {  	v5 =	vmul.f32 v13, v13;
	v18 =	vsub.f32 v22, v25;
	v13 =	vadd.f32 v26, v19;
	v19 =	vld [tilespmem:s6+$0xFFFFFF10]  }
0xbe: {  	v25 =	vsub.f32 v22, v15;
	v3 =	vmul.f32 v3, v3;
	v14 =	vadd.f32 v1, v17;
	v1 =	vld [tilespmem:s6+$0xFFFFFF20]  }
0xbf: {  	v15 =	vadd.f32 v5, v20;
	v20 =	vld [tilespmem:s6+$0xFFFFFF30];
	v17 =	vmul.f32 v18, v18;
	v18 =	vsub.f32 v22, v63  }
0xc0: {  	v26 =	vld [tilespmem:s6+$0xFFFFFF40];
	v25 =	vmul.f32 v25, v25;
	v22 =	vsub.f32 v22, v4;
	v5 =	vadd.f32 v3, v21  }
0xc1: {  	v4 =	vadd.f32 v17, v23;
	v17 =	vmul.f32 v18, v18;
	v23 =	vld [tilespmem:s6+$0xFFFFFF50];
	v21 =	vsub.f32 v6, v2  }
0xc2: {  	v3 =	vadd.f32 v25, v28;
	v22 =	vmul.f32 v22, v22;
	v28 =	vld [tilespmem:s6+$0xFFFFFF60];
	v19 =	vsub.f32 v6, v19  }
0xc3: {  	v18 =	vld [tilespmem:s6+$0xFFFFFF70];
	v2 =	vadd.f32 v17, v29;
	v17 =	vsub.f32 v6, v1;
	v25 =	vmul.f32 v21, v21  }
0xc4: {  	v20 =	vsub.f32 v6, v20;
	v1 =	vadd.f32 v22, v0;
	v27 =	vmul.f32 v19, v19;
	v21 =	vld [tilespmem:s6+$0xFFFFFF80]  }
0xc5: {  	v19 =	vld [tilespmem:s6+$0xFFFFFF90];
	v22 =	vmul.f32 v17, v17;
	v17 =	vsub.f32 v6, v26;
	v0 =	vadd.f32 v25, v24  }
0xc6: {  	s8 =	simm.s32 $0x31;
	v16 =	vadd.f32 v27, v16;
	v24 =	vmul.f32 v20, v20;
	v27 =	vsub.f32 v6, v23;
	v20 =	vld [tilespmem:s6+$0xFFFFFFA0]  }
0xc7: {  	v23 =	vmov s8;
	s8 =	simm.s32 $0x32;
	v26 =	vsub.f32 v6, v28;
	v25 =	vmul.f32 v17, v17;
	v17 =	vld [tilespmem:s6+$0xFFFFFFB0]  }
.LBB2_7:
0xc8: {  	p0 =	sne.s32 s8, $0x3F;
	v8 =	vadd.f32 v22, v8;
	v22 =	vmul.f32 v27, v27;
	v18 =	vsub.f32 v6, v18;
	v27 =	vld [tilespmem:s6+$0xFFFFFFC0]  }
0xc9: {  	v7 =	vadd.f32 v24, v7;
	v24 =	vmul.f32 v26, v26;
	v21 =	vsub.f32 v6, v21;
	v26 =	vld [tilespmem:s6+$0xFFFFFFD0]  }
0xca: {  	v9 =	vadd.f32 v25, v9;
	v18 =	vmul.f32 v18, v18;
	v19 =	vsub.f32 v6, v19;
	v25 =	vld [tilespmem:s6+$0xFFFFFFE0]  }
0xcb: {  	v10 =	vadd.f32 v22, v10;
	v21 =	vmul.f32 v21, v21;
	v20 =	vsub.f32 v6, v20;
	v22 =	vld [tilespmem:s6+$0xFFFFFFF0]  }
0xcc: {  	v11 =	vadd.f32 v24, v11;
	s6 =	sadd.s32 $0x100, s6;
	v23 =	vld.idx.msk [tilespmem:v23+s7+$0x0], $0xffff;
	v19 =	vmul.f32 v19, v19;
	v17 =	vsub.f32 v6, v17  }
0xcd: {  	v12 =	vadd.f32 v18, v12;
	v24 =	vld [tilespmem:s6+$0x0];
	v18 =	vmul.f32 v20, v20;
	v20 =	vsub.f32 v6, v27  }
0xce: {  	v13 =	vadd.f32 v21, v13;
	v27 =	vld [tilespmem:s6+$0xFFFFFF10];
	v17 =	vmul.f32 v17, v17;
	v21 =	vsub.f32 v6, v26  }
0xcf: {  	v14 =	vadd.f32 v19, v14;
	v26 =	vld [tilespmem:s6+$0xFFFFFF20];
	v19 =	vmul.f32 v20, v20;
	v20 =	vsub.f32 v6, v25  }
0xd0: {  	v15 =	vadd.f32 v18, v15;
	v25 =	vld [tilespmem:s6+$0xFFFFFF30];
	v18 =	vmul.f32 v21, v21;
	v22 =	vsub.f32 v6, v22  }
0xd1: {  	v5 =	vadd.f32 v17, v5;
	v28 =	vld [tilespmem:s6+$0xFFFFFF40];
	v4 =	vadd.f32 v19, v4;
	v17 =	vmul.f32 v20, v20  }
0xd2: {  	v6 =	vmovc v23;
	v20 =	vld [tilespmem:s6+$0xFFFFFF50];
	v19 =	vsub.f32 v23, v24;
	v3 =	vadd.f32 v18, v3;
	v21 =	vmul.f32 v22, v22  }
0xd3: {  	v22 =	vsub.f32 v6, v27;
	v29 =	vld [tilespmem:s6+$0xFFFFFF60];
	v2 =	vadd.f32 v17, v2  }
.Ltmp3:
0xd4: {  	v17 =	vsub.f32 v6, v26;
	v18 =	vld [tilespmem:s6+$0xFFFFFF70];
	v23 =	vmul.f32 v19, v19;
	v1 =	vadd.f32 v21, v1;
	(pc) =	sbr.rel @p0 .LBB2_7-.Ltmp3, $4  }
0xd5: {  	v24 =	vmul.f32 v22, v22;
	v25 =	vsub.f32 v6, v25;
	v21 =	vld [tilespmem:s6+$0xFFFFFF80]  }
0xd6: {  	v22 =	vmul.f32 v17, v17;
	v17 =	vsub.f32 v6, v28;
	v19 =	vld [tilespmem:s6+$0xFFFFFF90];
	v0 =	vadd.f32 v23, v0  }
0xd7: {  	v16 =	vadd.f32 v24, v16;
	v24 =	vmul.f32 v25, v25;
	v27 =	vsub.f32 v6, v20;
	v20 =	vld [tilespmem:s6+$0xFFFFFFA0]  }
0xd8: {  	v23 =	vmov s8;
	s8 =	sadd.s32 $0x1, s8;
	v25 =	vmul.f32 v17, v17;
	v26 =	vsub.f32 v6, v29;
	v17 =	vld [tilespmem:s6+$0xFFFFFFB0]  }
0xd9: {  	_ =	sdelay $0x3  }
0xda: {  	v23 =	vld.idx.msk [tilespmem:v23+s7+$0x0], $0xffff  }
0xdb: {  	v28 =	vld [tilespmem:s6+$0xFFFFFFC0]  }
0xdc: {  	v30 =	vld [tilespmem:s6+$0xFFFFFFD0]  }
0xdd: {  	s23 =	sadd.s32 $0x100, s6;
	v8 =	vadd.f32 v22, v8;
	v31 =	vld [tilespmem:s6+$0xFFFFFFE0]  }
0xde: {  	v27 =	vmul.f32 v27, v27;
	v18 =	vsub.f32 v6, v18;
	v7 =	vadd.f32 v24, v7;
	v60 =	vld [tilespmem:s23+$0xFFFFFF10]  }
0xdf: {  	v21 =	vsub.f32 v6, v21;
	v9 =	vadd.f32 v25, v9;
	v61 =	vld [tilespmem:s23+$0xFFFFFF20];
	v62 =	vmul.f32 v26, v26  }
0xe0: {  	v34 =	vld [tilespmem:s6+$0xFFFFFFF0];
	v19 =	vsub.f32 v6, v19;
	v10 =	vadd.f32 v27, v10;
	v18 =	vmul.f32 v18, v18  }
0xe1: {  	v63 =	vld [tilespmem:s23+$0xFFFFFF30];
	v21 =	vmul.f32 v21, v21;
	v20 =	vsub.f32 v6, v20;
	v11 =	vadd.f32 v62, v11  }
0xe2: {  	v33 =	vld [tilespmem:s23+$0xFFFFFF40];
	v12 =	vadd.f32 v18, v12;
	v17 =	vsub.f32 v6, v17  }
0xe3: {  	v13 =	vadd.f32 v21, v13;
	v39 =	vsub.f32 v6, v28  }
0xe4: {  	v36 =	vld [tilespmem:s23+$0xFFFFFF50];
	v22 =	vsub.f32 v23, v60;
	v35 =	vsub.f32 v23, v61  }
0xe5: {  	v19 =	vmul.f32 v19, v19;
	v27 =	vsub.f32 v6, v30;
	v25 =	vsub.f32 v6, v31  }
0xe6: {  	v38 =	vld [tilespmem:s23+$0xFFFFFF60];
	v37 =	vsub.f32 v23, v63;
	v22 =	vmul.f32 v22, v22;
	v21 =	vmul.f32 v35, v35  }
0xe7: {  	v40 =	vld [tilespmem:s23+$0xFFFFFF70];
	v32 =	vmul.f32 v20, v20;
	v42 =	vsub.f32 v6, v34;
	v20 =	vsub.f32 v23, v33  }
0xe8: {  	v41 =	vld [tilespmem:s23+$0xFFFFFF80];
	v24 =	vmul.f32 v37, v37;
	v16 =	vadd.f32 v22, v16;
	v8 =	vadd.f32 v21, v8  }
0xe9: {  	v53 =	vld [tilespmem:s23+$0xFFFFFFE0];
	v14 =	vadd.f32 v19, v14;
	v18 =	vsub.f32 v23, v36  }
0xea: {  	v55 =	vld [tilespmem:s23+$0xFFFFFFF0];
	v20 =	vmul.f32 v20, v20;
	v7 =	vadd.f32 v24, v7;
	vm0 =	vlt.f32 v8, v16  }
0xeb: {  	v43 =	vsub.f32 v23, v38;
	v17 =	vmul.f32 v17, v17;
	v8 =	vsel vm0, v8, v16  }
0xec: {  	v18 =	vmul.f32 v18, v18;
	v9 =	vadd.f32 v20, v9;
	vm1 =	vlt.f32 v7, v8  }
0xed: {  	v44 =	vld [tilespmem:s23+$0xFFFFFF90];
	v45 =	vsub.f32 v23, v40;
	v48 =	vsub.f32 v23, v41;
	v7 =	vsel vm1, v7, v8  }
0xee: {  	v19 =	vmul.f32 v43, v43;
	v10 =	vadd.f32 v18, v10;
	vm2 =	vlt.f32 v9, v7  }
0xef: {  	v46 =	vld [tilespmem:s23+$0xFFFFFFA0];
	v57 =	vsub.f32 v23, v53;
	v59 =	vsub.f32 v23, v55;
	v7 =	vsel vm2, v9, v7  }
0xf0: {  	v49 =	vld [tilespmem:s23+$0xFFFFFFB0];
	v20 =	vmul.f32 v45, v45;
	v11 =	vadd.f32 v19, v11;
	vm3 =	vlt.f32 v10, v7  }
0xf1: {  	v15 =	vadd.f32 v32, v15;
	v21 =	vmul.f32 v48, v48;
	v7 =	vsel vm3, v10, v7  }
0xf2: {  	v51 =	vld [tilespmem:s23+$0xFFFFFFC0];
	v12 =	vadd.f32 v20, v12;
	v16 =	vsub.f32 v23, v44;
	vm4 =	vlt.f32 v11, v7  }
0xf3: {  	v47 =	vmul.f32 v39, v39;
	v13 =	vadd.f32 v21, v13;
	v7 =	vsel vm4, v11, v7  }
0xf4: {  	v52 =	vld [tilespmem:s23+$0xFFFFFFD0];
	v8 =	vsub.f32 v23, v46;
	v16 =	vmul.f32 v16, v16;
	vm5 =	vlt.f32 v12, v7  }
0xf5: {  	v50 =	vmul.f32 v27, v27;
	v9 =	vsub.f32 v23, v49;
	v7 =	vsel vm5, v12, v7  }
0xf6: {  	v8 =	vmul.f32 v8, v8;
	v14 =	vadd.f32 v16, v14;
	vm6 =	vlt.f32 v13, v7  }
0xf7: {  	v5 =	vadd.f32 v17, v5;
	v10 =	vsub.f32 v23, v51;
	v7 =	vsel vm6, v13, v7  }
0xf8: {  	v9 =	vmul.f32 v9, v9;
	v8 =	vadd.f32 v8, v15;
	vm7 =	vlt.f32 v14, v7  }
0xf9: {  	v4 =	vadd.f32 v47, v4;
	v11 =	vsub.f32 v23, v52;
	v7 =	vsel vm7, v14, v7  }
0xfa: {  	v56 =	vld [tilespmem:s23+$0x0];
	v10 =	vmul.f32 v10, v10;
	v5 =	vadd.f32 v9, v5;
	vm8 =	vlt.f32 v8, v7  }
0xfb: {  	v54 =	vmul.f32 v25, v25;
	v3 =	vadd.f32 v50, v3;
	v7 =	vsel vm8, v8, v7  }
0xfc: {  	v58 =	vmul.f32 v11, v11;
	v4 =	vadd.f32 v10, v4;
	vm9 =	vlt.f32 v5, v7  }
0xfd: {  	v6 =	vmul.f32 v42, v42;
	v60 =	vmul.f32 v57, v57;
	v5 =	vsel vm9, v5, v7  }
0xfe: {  	v2 =	vadd.f32 v54, v2;
	v3 =	vadd.f32 v58, v3;
	vm10 =	vlt.f32 v4, v5  }
0xff: {  	v61 =	vsub.f32 v23, v56;
	v62 =	vmul.f32 v59, v59;
	v4 =	vsel vm10, v4, v5  }
0x100: {  	v1 =	vadd.f32 v6, v1;
	v2 =	vadd.f32 v60, v2;
	vm11 =	vlt.f32 v3, v4  }
0x101: {  	v3 =	vsel vm11, v3, v4  }
0x102: {  	v63 =	vmul.f32 v61, v61;
	v1 =	vadd.f32 v62, v1;
	vm12 =	vlt.f32 v2, v3  }
0x103: {  	v2 =	vsel vm12, v2, v3  }
0x104: {  	v0 =	vadd.f32 v63, v0;
	vm14 =	vlt.f32 v1, v2  }
0x105: {  	v1 =	vsel vm14, v1, v2  }
0x106: {  	vm13 =	vlt.f32 v0, v1  }
0x107: {  	v0 =	vsel vm13, v0, v1  }
0x108: {  	(xrf0) =	vmin.scan.msk.f32 $0xffff, v0;
	_ =	sdelay $0x5  }
0x109: {  	v1, _, _ =	vpop (xrf0)  }
0x10a: {  	v1 =	vbroadcast v1, $0xF  }
0x10b: {  	s24 =	sshll.u32 s1, $0x4  }
0x10c: {  	s25 =	simm.s32 $0x4080;
	s6 =	sadd.s32 s24, s4;
	[tilespmem:$0x4080] =	vst v1  }
0x10d: {  	[spmem:s6] =	stream.linear.scatter [tilespmem:s25], [sflag:$0x6], $0x10, $0x38;
	[tilespmem:$0x4210] =	vst v63  }
0x10e: {  	s6 =	simm.s32 $0x6  }
0x10f: {  	_ =	swait.ge [sflag:s6], $0x10  }
0x110: {  	[sflag:s6] =	ssyncset.done $0x0  }
0x111: {  	s5 =	sshll.u32 s5, $0x5;
	[sflag:s6] =	ssyncadd.s32 $0xFFFFFFF0  }
0x112: {  	s28 =	simm.s32 $0x4100;
	s26 =	sadd.s32 s5, s4;
	[bflag:$0x0] =	sbarrier.arrive $0xFFFF  }
0x113: {  	[tilespmem:s28], [sflag:$0x6] =	stream.linear.gather [spmem:s26], $0x20, $0x38;
	[tilespmem:$0x4210] =	vst v63  }
0x114: {  	_ =	swait.ge [sflag:s6], $0x20  }
0x115: {  	[sflag:s6] =	ssyncset.done $0x0  }
0x116: {  	[sflag:s6] =	ssyncadd.s32 $0xFFFFFFE0  }
0x117: {  	v2 =	vld [tilespmem:$0x4100]  }
0x118: {  	v3 =	vld [tilespmem:$0x4110];
	_ =	sdelay $0x3  }
0x119: {  	(xrf0) =	vmin.scan.msk.f32 $0xffff, v2  }
0x11a: {  	(xrf0) =	vmin.scan.msk.f32 $0xffff, v3;
	_ =	sdelay $0x4  }
0x11b: {  	v2, _, _ =	vpop (xrf0)  }
0x11c: {  	(v2sf) =	vpush v2, $0xF;
	v2, _, _ =	vpop (xrf0)  }
0x11d: {  	(v2sf) =	vpush v2, $0xF;
	_ =	sdelay $0xd  }
0x11e: {  	s29 =	spop (v2sf)  }
0x11f: {  	s30 =	spop (v2sf)  }
0x120: {  	s5 =	smin.f32 s29, s30  }
0x121: {  	p0 =	seq.f32 s29, s5  }
0x122: {  	s4 =	simm.s32 $0x1  }
0x123: {  	s31 =	sand.u32 $0x1, s1;
	s4 =	simm.s32 @!p0 $0x0  }
0x124: {  	p0 =	seq.s32 s4, s31  }
.Ltmp4:
0x125: {  	_ = 	snop;
	(pc) =	sbr.rel @p0 .LBB2_10-.Ltmp4, $1  }
0x126: {  	_ =	sdelay $0x3  }
0x127: {  	v2 =	vlaneseq.u32  }
0x128: {  	v3 =	vor.u32 $0x80000000, v2;
	v4 =	vor.u32 $0x80000010, v2  }
0x129: {  	v46 =	vor.u32 $0x80000020, v2;
	v3 =	vsel vm0, v4, v3  }
0x12a: {  	v47 =	vor.u32 $0x80000030, v2;
	v3 =	vsel vm1, v46, v3  }
0x12b: {  	v48 =	vor.u32 $0x80000040, v2;
	v3 =	vsel vm2, v47, v3  }
0x12c: {  	v49 =	vor.u32 $0x80000050, v2;
	v3 =	vsel vm3, v48, v3  }
0x12d: {  	v50 =	vor.u32 $0x80000060, v2;
	v3 =	vsel vm4, v49, v3  }
0x12e: {  	v51 =	vor.u32 $0x80000070, v2;
	v3 =	vsel vm5, v50, v3  }
0x12f: {  	v52 =	vor.u32 $0x80000080, v2;
	v3 =	vsel vm6, v51, v3  }
0x130: {  	v53 =	vor.u32 $0x80000090, v2;
	v3 =	vsel vm7, v52, v3  }
0x131: {  	v54 =	vor.u32 $0x800000A0, v2;
	v3 =	vsel vm8, v53, v3  }
0x132: {  	v55 =	vor.u32 $0x800000B0, v2;
	v3 =	vsel vm9, v54, v3  }
0x133: {  	v56 =	vor.u32 $0x800000C0, v2;
	v3 =	vsel vm10, v55, v3  }
0x134: {  	v57 =	vor.u32 $0x800000D0, v2;
	v3 =	vsel vm11, v56, v3  }
0x135: {  	v58 =	vor.u32 $0x800000E0, v2;
	v3 =	vsel vm12, v57, v3  }
0x136: {  	v59 =	vor.u32 $0x800000F0, v2;
	v3 =	vsel vm14, v58, v3  }
0x137: {  	vm15 =	veq.f32 v0, v1;
	v60 =	vsel vm13, v59, v3  }
0x138: {  	v0 =	vnsel vm15, $0xC0000000, v60  }
0x139: {  	(xrf0) =	vmin.scan.msk.u32 $0xffff, v0;
	_ =	sdelay $0x5  }
0x13a: {  	v0, _, _ =	vpop (xrf0)  }
0x13b: {  	(v2sf) =	vpush v0, $0xF;
	_ =	sdelay $0xe  }
0x13c: {  	v61 =	vmul.u32 $0x100, v2;
	s4 =	spop (v2sf)  }
0x13d: {  	s4 =	sxor.u32 $0x80000000, s4  }
0x13e: {  	v62 =	vadd.s32 s4, v61;
	_ =	sdelay $0x3  }
0x13f: {  	s5 =	simm.s32 $0x80  }
0x140: {  	v2 =	vor.u32 $0x1000, v61;
	v1 =	vld.idx.msk [tilespmem:v62+s5+$0x0], $0xffff  }
0x141: {  	v2 =	vadd.s32 s4, v2;
	_ =	sdelay $0x3  }
0x142: {  	[tilespmem:$0x4180] =	vst v1  }
0x143: {  	v63 =	vor.u32 $0x2000, v61;
	v1 =	vld.idx.msk [tilespmem:v2+s5+$0x0], $0xffff  }
0x144: {  	v2 =	vadd.s32 s4, v63;
	_ =	sdelay $0x3  }
0x145: {  	[tilespmem:$0x4190] =	vst v1  }
0x146: {  	v0 =	vor.u32 $0x3000, v61;
	v1 =	vld.idx.msk [tilespmem:v2+s5+$0x0], $0xffff  }
0x147: {  	v0 =	vadd.s32 s4, v0;
	_ =	sdelay $0x3  }
0x148: {  	[tilespmem:$0x41A0] =	vst v1  }
0x149: {  	v0 =	vld.idx.msk [tilespmem:v0+s5+$0x0], $0xffff;
	_ =	sdelay $0x4  }
0x14a: {  	s2 =	sadd.s32 s3, s2;
	s30 =	simm.s32 $0x0;
	s31 =	simm.s32 $0x4180;
	[tilespmem:$0x41B0] =	vst v0  }
0x14b: {  	[hbm4b:s2+s30] =	stream.linear.scatter [tilespmem:s31], [sflag:$0x6], $0x40, $0x38;
	[tilespmem:$0x4210] =	vst v63  }
0x14c: {  	_ =	swait.ge [sflag:s6], $0x40  }
0x14d: {  	[sflag:s6] =	ssyncset.done $0x0  }
0x14e: {  	[sflag:s6] =	ssyncadd.s32 $0xFFFFFFC0  }
.LBB2_10:
0x14f: {  	_ =	sfence.sel $0x180000  }
0x150: {  	[bflag:$0x0] =	sbarrier.arrive $0xFFFF  }
0x151: {  	p0 =	sne.s32 s1, $0x0;
	_ =	strace $0x90000047  }
0x152: {  	s0 =	sadd.s32 @!p0 $0x100000, s0;
	[bflag:$0x2] =	sbarrier.arrive $0xFFFF  }
0x153: {  	[sflag:s0] =	ssyncadd.tile.s32 @!p0 $0x1;
	_ =	shalt  }
.Lfunc_end2:
_tile_overlayer_lowered:
.L_overlay_start_2:
0x154: {  	(tag) =	ssettag $0x2  }
0x155: {  	s0 =	rddreg [dreg:$0x0];
	s2 =	stileid.u32  }
0x156: {  	s1 =	rddreg [dreg:$0x1];
	p0 =	sne.s32 s2, $0x0  }
0x157: {  	s3 =	rddreg [dreg:$0x2];
	[bflag:$0x3] =	sbarrier.arrive $0xFFFF;
	s2 =	simm.s32 @!p0 $0x1C06  }
0x158: {  	[timem:s3], [sflag:s2] =	dma.local @!p0 [hbm:s0], s1  }
0x159: {  	s0 =	simm.s32 @!p0 $0x6  }
0x15a: {  	_ =	swait.ge @!p0 [sflag:s0], s1  }
0x15b: {  	s1 =	ssub.s32 @!p0 $0x0, s1;
	[sflag:s0] =	ssyncset.done @!p0 $0x0  }
0x15c: {  	[sflag:s0] =	ssyncadd.s32 @!p0 s1  }
0x15d: {  	[bflag:$0x3] =	sbarrier.arrive $0xFFFF  }
0x15e: {  	_ =	shalt  }

</sc_bundles>
